<compile_context>
chip_gen: v7x
topology: tpu7x:2x2x1
jax: 0.10.2.dev20260603
libtpu: 0.0.44.dev20260713+nightly
codegen_flags: <defaults>
</compile_context>

<pallas_src>
import functools

import jax
import jax.numpy as jnp
from jax import lax
from jax.experimental import pallas as pl
from jax.experimental.pallas import tpu as pltpu
from jax.experimental.pallas import tpu_sc as plsc

_B, _S, _H = 16, 2048, 1024
_L, _M = 32, 4
_LANES = 16


def _tc_body(spans_ref, seq_ref, means_ref):
    sp = spans_ref[0]
    s = sp[:, 0:1]
    e = sp[:, 1:2]

    pos = jax.lax.broadcasted_iota(jnp.int32, (_L * _M, _S), 1)
    maskf = ((pos >= s) & (pos <= e)).astype(jnp.bfloat16)

    x = seq_ref[0].astype(jnp.bfloat16)
    sums = jax.lax.dot_general(
        maskf, x,
        dimension_numbers=(((1,), (0,)), ((), ())),
        preferred_element_type=jnp.float32,
    )

    counts = (e - s + 1).astype(jnp.float32)
    means_ref[0] = sums / counts


def _round_bf16(v):
    t = v * jnp.float32(65537.0)
    return t - (t - v)


def _butterfly(v, op):
    lane = lax.broadcasted_iota(jnp.int32, (_LANES,), 0)
    for sh in (1, 2, 4, 8):
        idx = lane ^ sh
        v = op(v, v.at[idx].get(mode="promise_in_bounds"))
    return v


def _sc_body(means_hbm, w_hbm, b_hbm, logits_hbm, hid_hbm, best_hbm,
             rows_v, w_v, hid_v, log_v, b_v, best_v):
    wid = lax.axis_index("s") * 2 + lax.axis_index("c")

    @pl.when(wid < _B)
    def _():
        bb = wid
        pltpu.sync_copy(w_hbm.at[0], w_v)
        pltpu.sync_copy(b_hbm, b_v)
        lane = lax.broadcasted_iota(jnp.int32, (_LANES,), 0)
        zero = jnp.zeros((_LANES,), jnp.float32)
        bvec = b_v[...]

        for g in range(_L // _LANES):
            def link16(i, lacc, g=g):
                l = g * _LANES + i
                pltpu.sync_copy(means_hbm.at[bb, pl.ds(l * _M, _M)], rows_v)
                acc0 = jnp.where(lane == 0, bvec, zero)

                def chunk(c, acc):
                    off = c * _LANES
                    r0 = rows_v[0, pl.ds(off, _LANES)]
                    r1 = rows_v[1, pl.ds(off, _LANES)]
                    r2 = rows_v[2, pl.ds(off, _LANES)]
                    r3 = rows_v[3, pl.ds(off, _LANES)]
                    mx = jnp.maximum(jnp.maximum(r0, r1),
                                     jnp.maximum(r2, r3))
                    hid_v[pl.ds(off, _LANES)] = mx
                    wb = _round_bf16(w_v[pl.ds(off, _LANES)])
                    return acc + _round_bf16(mx) * wb

                acc = lax.fori_loop(0, _H // _LANES, chunk, acc0)
                pltpu.sync_copy(hid_v, hid_hbm.at[bb, l])
                logit = _butterfly(acc, jnp.add)
                return jnp.where(lane == i, logit, lacc)

            lvec = lax.fori_loop(0, _LANES, link16, zero)
            log_v[pl.ds(g * _LANES, _LANES)] = lvec

        pltpu.sync_copy(log_v, logits_hbm.at[bb])

        v0 = log_v[pl.ds(0, _LANES)]
        v1 = log_v[pl.ds(_LANES, _LANES)]
        wv = jnp.maximum(v0, v1)
        wi = jnp.where(v0 >= v1, lane, lane + _LANES)
        m = _butterfly(wv, jnp.maximum)
        cand = jnp.where(wv == m, wi, jnp.int32(2**30))
        bi = _butterfly(cand, jnp.minimum)
        best_v[...] = bi
        pltpu.sync_copy(best_v, best_hbm.at[bb])


def kernel(seq_hiddens, links_spans, W, b):
    B, S, H = seq_hiddens.shape
    L, M = links_spans.shape[1], links_spans.shape[2]
    sp = links_spans.reshape(B, L * M, 2).astype(jnp.int32)

    means = pl.pallas_call(
        _tc_body,
        grid=(B,),
        in_specs=[
            pl.BlockSpec((1, L * M, 2), lambda bb: (bb, 0, 0)),
            pl.BlockSpec((1, S, H), lambda bb: (bb, 0, 0)),
        ],
        out_specs=pl.BlockSpec((1, L * M, H), lambda bb: (bb, 0, 0)),
        out_shape=jax.ShapeDtypeStruct((B, L * M, H), jnp.float32),
        compiler_params=pltpu.CompilerParams(
            dimension_semantics=("arbitrary",),
        ),
    )(sp, seq_hiddens)

    b16 = jnp.broadcast_to(b.astype(jnp.float32), (_LANES,))

    sc = functools.partial(
        pl.kernel,
        mesh=plsc.VectorSubcoreMesh(core_axis_name="c", subcore_axis_name="s"),
        out_type=[
            jax.ShapeDtypeStruct((B, L), jnp.float32),
            jax.ShapeDtypeStruct((B, L, H), jnp.float32),
            jax.ShapeDtypeStruct((B, _LANES), jnp.int32),
        ],
        scratch_types=[
            pltpu.VMEM((M, H), jnp.float32),
            pltpu.VMEM((H,), jnp.float32),
            pltpu.VMEM((H,), jnp.float32),
            pltpu.VMEM((L,), jnp.float32),
            pltpu.VMEM((_LANES,), jnp.float32),
            pltpu.VMEM((_LANES,), jnp.int32),
        ],
    )(_sc_body)

    link_logits, link_hiddens, best_pad = sc(means, W, b16)
    return (link_logits, link_hiddens, best_pad[:, 0])

# --- scband reference (transcript-rebuilt; emitter-appended) ---
"""Pipeline reference for scband-linker-65592740544758 (READ-ONLY COPY).

The authoritative reference and input builder live on the scoring server;
editing this copy changes nothing except your own understanding.
"""

import jax, jax.numpy as jnp
import numpy as np


def setup_inputs(seed: int = 0) -> dict:
    key = jax.random.key(seed)
    k1, k2, k3 = jax.random.split(key, 3)
    B, S, H = 16, 2048, 1024
    L, M = 32, 4
    seq_hiddens = jax.random.normal(k1, (B, S, H), dtype=jnp.float32)
    # sorted along last axis so start <= end for every span
    links_spans = jnp.sort(jax.random.randint(k2, (B, L, M, 2), 0, S), axis=-1)
    # scorer: nn.Linear(hidden_size, 1)
    W = jax.random.normal(k3, (1, H), dtype=jnp.float32) * 0.02
    b = jnp.zeros((1,), dtype=jnp.float32)
    return {"seq_hiddens": seq_hiddens, "links_spans": links_spans, "W": W, "b": b}


def reference(seq_hiddens, links_spans, W, b):
    # seq_hiddens: [B, S, H]; links_spans: [B, L, M, 2] (start, end) inclusive
    B, S, H = seq_hiddens.shape
    starts = links_spans[..., 0]  # [B, L, M]
    ends = links_spans[..., 1]    # [B, L, M]
    pos = jnp.arange(S)
    # span membership mask: pos in [start, end]
    mask = (pos[None, None, None, :] >= starts[..., None]) & (pos[None, None, None, :] <= ends[..., None])  # [B,L,M,S]
    maskf = mask.astype(seq_hiddens.dtype)
    counts = jnp.maximum(maskf.sum(axis=-1, keepdims=True), 1.0)  # [B,L,M,1]
    # mean over each span: seq_hiddens[i, start:end+1].mean(0)
    sums = jnp.einsum('blms,bsh->blmh', maskf, seq_hiddens)
    span_means = sums / counts  # [B, L, M, H]
    # max over the M spans of each link
    link_hiddens = span_means.max(axis=2)  # [B, L, H]
    # scorer(link_hiddens).squeeze(-1)
    link_logits = jnp.einsum('blh,oh->blo', link_hiddens, W)[..., 0] + b[0]  # [B, L]
    best_idx = jnp.argmax(link_logits, axis=-1)  # [B]
    return (link_logits, link_hiddens, best_idx)

if __name__ == "__main__":
    import jax
    _d = setup_inputs()
    print(jax.jit(kernel)(*tuple(_d.values())))

</pallas_src>

<mosaic_0001>
#map = affine_map<(d0, d1) -> (0, 0, 0)>
#map1 = affine_map<(d0, d1) -> (0, 0)>
#map2 = affine_map<(d0, d1) -> (0)>
module attributes {stable_mosaic.version = 14 : i64} {
  func.func @_sc_body(%arg0: i32, %arg1: i32, %arg2: memref<16x128x1024xf32, #tpu.memory_space<hbm>>, %arg3: memref<1x1024xf32, #tpu.memory_space<hbm>>, %arg4: memref<16xf32, #tpu.memory_space<hbm>>, %arg5: memref<16x32xf32, #tpu.memory_space<hbm>>, %arg6: memref<16x32x1024xf32, #tpu.memory_space<hbm>>, %arg7: memref<16x16xi32, #tpu.memory_space<hbm>>, %arg8: memref<4x1024xf32, #tpu.memory_space<vmem>>, %arg9: memref<1024xf32, #tpu.memory_space<vmem>>, %arg10: memref<1024xf32, #tpu.memory_space<vmem>>, %arg11: memref<32xf32, #tpu.memory_space<vmem>>, %arg12: memref<16xf32, #tpu.memory_space<vmem>>, %arg13: memref<16xi32, #tpu.memory_space<vmem>>) attributes {dimension_semantics = [#tpu.dimension_semantics<core_parallel>, #tpu.dimension_semantics<subcore_parallel>], iteration_bounds = array<i64: 2, 16>, scalar_prefetch = 0 : i64, scratch_operands = 6 : i64, tpu.core_type = #tpu.core_type<sc_vector_subcore>, window_params = [{transform_indices = #map}, {transform_indices = #map1}, {transform_indices = #map2}, {transform_indices = #map1}, {transform_indices = #map}, {transform_indices = #map1}]} {
    %mul3A = arith.constant 2 : i32
    %mul3A_0 = arith.muli %arg1, %mul3A : i32
    %add3A = arith.addi %mul3A_0, %arg0 : i32
    %lt3A = arith.constant 16 : i32
    %lt3A_1 = arith.cmpi slt, %add3A, %lt3A : i32
    %convert_element_type3A = arith.extui %lt3A_1 : i1 to i32
    %cond3A = arith.constant 0 : i32
    %cond3A_2 = arith.cmpi ne, %convert_element_type3A, %cond3A : i32
    scf.if %cond3A_2 {
      %run_scoped3A = arith.constant 0 : i32
      "tpu.region"() ({
        %run_scoped3A_150 = tpu.sem_alloc : memref<!tpu.dma_semaphore, #tpu.memory_space<semaphore_mem>>
        %dma_start3A = arith.constant 0 : i32
        %dma_start3A_151 = tpu.memref_slice %arg3[%run_scoped3A, %dma_start3A] : memref<1x1024xf32, #tpu.memory_space<hbm>> -> memref<1x1024xf32, #tpu.memory_space<hbm>>
        %dma_start3A_152 = tpu.memref_squeeze %dma_start3A_151 : memref<1x1024xf32, #tpu.memory_space<hbm>> -> memref<1024xf32, #tpu.memory_space<hbm>>
        %dma_start3A_153 = arith.constant 0 : i32
        %dma_start3A_154 = tpu.memref_slice %arg3[%run_scoped3A, %dma_start3A_153] : memref<1x1024xf32, #tpu.memory_space<hbm>> -> memref<1x1024xf32, #tpu.memory_space<hbm>>
        %dma_start3A_155 = tpu.memref_squeeze %dma_start3A_154 : memref<1x1024xf32, #tpu.memory_space<hbm>> -> memref<1024xf32, #tpu.memory_space<hbm>>
        tpu.enqueue_dma source(%dma_start3A_155 : memref<1024xf32, #tpu.memory_space<hbm>>) target(%arg9 : memref<1024xf32, #tpu.memory_space<vmem>>) target_semaphore(%run_scoped3A_150 : memref<!tpu.dma_semaphore, #tpu.memory_space<semaphore_mem>>)
        %dma_wait3A = arith.constant 0 : i32
        %dma_wait3A_156 = tpu.memref_slice %arg3[%run_scoped3A, %dma_wait3A] : memref<1x1024xf32, #tpu.memory_space<hbm>> -> memref<1x1024xf32, #tpu.memory_space<hbm>>
        %dma_wait3A_157 = tpu.memref_squeeze %dma_wait3A_156 : memref<1x1024xf32, #tpu.memory_space<hbm>> -> memref<1024xf32, #tpu.memory_space<hbm>>
        %dma_wait3A_158 = arith.constant 0 : i32
        %dma_wait3A_159 = tpu.memref_slice %arg3[%run_scoped3A, %dma_wait3A_158] : memref<1x1024xf32, #tpu.memory_space<hbm>> -> memref<1x1024xf32, #tpu.memory_space<hbm>>
        %dma_wait3A_160 = tpu.memref_squeeze %dma_wait3A_159 : memref<1x1024xf32, #tpu.memory_space<hbm>> -> memref<1024xf32, #tpu.memory_space<hbm>>
        tpu.wait_dma2 semaphore(%run_scoped3A_150 : memref<!tpu.dma_semaphore, #tpu.memory_space<semaphore_mem>>) src(%dma_wait3A_160 : memref<1024xf32, #tpu.memory_space<hbm>>) dst(%arg9 : memref<1024xf32, #tpu.memory_space<vmem>>)
        tpu.yield
      }) : () -> ()
      "tpu.region"() ({
        %run_scoped3A_150 = tpu.sem_alloc : memref<!tpu.dma_semaphore, #tpu.memory_space<semaphore_mem>>
        tpu.enqueue_dma source(%arg4 : memref<16xf32, #tpu.memory_space<hbm>>) target(%arg12 : memref<16xf32, #tpu.memory_space<vmem>>) target_semaphore(%run_scoped3A_150 : memref<!tpu.dma_semaphore, #tpu.memory_space<semaphore_mem>>)
        tpu.wait_dma2 semaphore(%run_scoped3A_150 : memref<!tpu.dma_semaphore, #tpu.memory_space<semaphore_mem>>) src(%arg4 : memref<16xf32, #tpu.memory_space<hbm>>) dst(%arg12 : memref<16xf32, #tpu.memory_space<vmem>>)
        tpu.yield
      }) : () -> ()
      %iota3A = tpu.iota {dimensions = array<i32: 0>} : vector<16xi32>
      %broadcast_in_dim3A = arith.constant 0.000000e+00 : f32
      %broadcast_in_dim3A_3 = vector.broadcast %broadcast_in_dim3A : f32 to vector<16xf32>
      %get3A = arith.constant 0 : index
      %get3A_4 = tpu.vector_load %arg12[%get3A] {strides = array<i32>} : memref<16xf32, #tpu.memory_space<vmem>>, vector<16xf32>,
      %get3A_5 = vector.shape_cast %get3A_4 : vector<16xf32> to vector<16xf32>
      %scan3A = arith.constant 0 : i32
      %scan3A_6 = arith.constant 16 : i32
      %scan3A_7 = arith.addi %scan3A, %scan3A_6 : i32
      %scan3A_8 = arith.constant 1 : i32
      %scan3A_9 = scf.for %scan3A_150 = %scan3A to %scan3A_7 step %scan3A_8 iter_args(%scan3A_151 = %broadcast_in_dim3A_3) -> (vector<16xf32>)  : i32 {
        %add3A_152 = arith.constant 0 : i32
        %add3A_153 = arith.addi %add3A_152, %scan3A_150 : i32
        %mul3A_154 = arith.constant 4 : i32
        %mul3A_155 = arith.muli %add3A_153, %mul3A_154 : i32
        "tpu.region"() ({
          %run_scoped3A_226 = tpu.sem_alloc : memref<!tpu.dma_semaphore, #tpu.memory_space<semaphore_mem>>
          %dma_start3A = arith.constant 0 : i32
          %dma_start3A_227 = tpu.memref_slice %arg2[%add3A, %mul3A_155, %dma_start3A] : memref<16x128x1024xf32, #tpu.memory_space<hbm>> -> memref<1x4x1024xf32, #tpu.memory_space<hbm>>
          %dma_start3A_228 = tpu.memref_squeeze %dma_start3A_227 : memref<1x4x1024xf32, #tpu.memory_space<hbm>> -> memref<4x1024xf32, #tpu.memory_space<hbm>>
          %dma_start3A_229 = arith.constant 0 : i32
          %dma_start3A_230 = tpu.memref_slice %arg2[%add3A, %mul3A_155, %dma_start3A_229] : memref<16x128x1024xf32, #tpu.memory_space<hbm>> -> memref<1x4x1024xf32, #tpu.memory_space<hbm>>
          %dma_start3A_231 = tpu.memref_squeeze %dma_start3A_230 : memref<1x4x1024xf32, #tpu.memory_space<hbm>> -> memref<4x1024xf32, #tpu.memory_space<hbm>>
          tpu.enqueue_dma source(%dma_start3A_231 : memref<4x1024xf32, #tpu.memory_space<hbm>>) target(%arg8 : memref<4x1024xf32, #tpu.memory_space<vmem>>) target_semaphore(%run_scoped3A_226 : memref<!tpu.dma_semaphore, #tpu.memory_space<semaphore_mem>>)
          %dma_wait3A = arith.constant 0 : i32
          %dma_wait3A_232 = tpu.memref_slice %arg2[%add3A, %mul3A_155, %dma_wait3A] : memref<16x128x1024xf32, #tpu.memory_space<hbm>> -> memref<1x4x1024xf32, #tpu.memory_space<hbm>>
          %dma_wait3A_233 = tpu.memref_squeeze %dma_wait3A_232 : memref<1x4x1024xf32, #tpu.memory_space<hbm>> -> memref<4x1024xf32, #tpu.memory_space<hbm>>
          %dma_wait3A_234 = arith.constant 0 : i32
          %dma_wait3A_235 = tpu.memref_slice %arg2[%add3A, %mul3A_155, %dma_wait3A_234] : memref<16x128x1024xf32, #tpu.memory_space<hbm>> -> memref<1x4x1024xf32, #tpu.memory_space<hbm>>
          %dma_wait3A_236 = tpu.memref_squeeze %dma_wait3A_235 : memref<1x4x1024xf32, #tpu.memory_space<hbm>> -> memref<4x1024xf32, #tpu.memory_space<hbm>>
          tpu.wait_dma2 semaphore(%run_scoped3A_226 : memref<!tpu.dma_semaphore, #tpu.memory_space<semaphore_mem>>) src(%dma_wait3A_236 : memref<4x1024xf32, #tpu.memory_space<hbm>>) dst(%arg8 : memref<4x1024xf32, #tpu.memory_space<vmem>>)
          tpu.yield
        }) : () -> ()
        %eq3A_156 = arith.constant 0 : i32
        %eq3A_157 = vector.broadcast %eq3A_156 : i32 to vector<16xi32>
        %eq3A_158 = arith.cmpi eq, %iota3A, %eq3A_157 : vector<16xi32>
        %select_n3A_159 = arith.select %eq3A_158, %get3A_5, %broadcast_in_dim3A_3 : vector<16xi1>, vector<16xf32>
        %scan3A_160 = arith.constant 0 : i32
        %scan3A_161 = arith.constant 64 : i32
        %scan3A_162 = arith.addi %scan3A_160, %scan3A_161 : i32
        %scan3A_163 = arith.constant 1 : i32
        %scan3A_164 = scf.for %scan3A_226 = %scan3A_160 to %scan3A_162 step %scan3A_163 iter_args(%scan3A_227 = %select_n3A_159) -> (vector<16xf32>)  : i32 {
          %mul3A_228 = arith.constant 16 : i32
          %mul3A_229 = arith.muli %scan3A_226, %mul3A_228 : i32
          %get3A_230 = arith.constant 0 : i32
          %get3A_231 = arith.index_cast %get3A_230 : i32 to index
          %get3A_232 = arith.index_cast %mul3A_229 : i32 to index
          %get3A_233 = tpu.vector_load %arg8[%get3A_231, %get3A_232] {strides = array<i32>} : memref<4x1024xf32, #tpu.memory_space<vmem>>, vector<1x16xf32>,
          %get3A_234 = vector.shape_cast %get3A_233 : vector<1x16xf32> to vector<16xf32>
          %get3A_235 = arith.constant 1 : i32
          %get3A_236 = arith.index_cast %get3A_235 : i32 to index
          %get3A_237 = arith.index_cast %mul3A_229 : i32 to index
          %get3A_238 = tpu.vector_load %arg8[%get3A_236, %get3A_237] {strides = array<i32>} : memref<4x1024xf32, #tpu.memory_space<vmem>>, vector<1x16xf32>,
          %get3A_239 = vector.shape_cast %get3A_238 : vector<1x16xf32> to vector<16xf32>
          %get3A_240 = arith.constant 2 : i32
          %get3A_241 = arith.index_cast %get3A_240 : i32 to index
          %get3A_242 = arith.index_cast %mul3A_229 : i32 to index
          %get3A_243 = tpu.vector_load %arg8[%get3A_241, %get3A_242] {strides = array<i32>} : memref<4x1024xf32, #tpu.memory_space<vmem>>, vector<1x16xf32>,
          %get3A_244 = vector.shape_cast %get3A_243 : vector<1x16xf32> to vector<16xf32>
          %get3A_245 = arith.constant 3 : i32
          %get3A_246 = arith.index_cast %get3A_245 : i32 to index
          %get3A_247 = arith.index_cast %mul3A_229 : i32 to index
          %get3A_248 = tpu.vector_load %arg8[%get3A_246, %get3A_247] {strides = array<i32>} : memref<4x1024xf32, #tpu.memory_space<vmem>>, vector<1x16xf32>,
          %get3A_249 = vector.shape_cast %get3A_248 : vector<1x16xf32> to vector<16xf32>
          %max3A_250 = arith.maximumf %get3A_234, %get3A_239 : vector<16xf32>
          %max3A_251 = arith.maximumf %get3A_244, %get3A_249 : vector<16xf32>
          %max3A_252 = arith.maximumf %max3A_250, %max3A_251 : vector<16xf32>
          %swap3A_253 = arith.index_cast %mul3A_229 : i32 to index
          %swap3A_254 = tpu.vector_load %arg10[%swap3A_253] {strides = array<i32>} : memref<1024xf32, #tpu.memory_space<vmem>>, vector<16xf32>,
          %swap3A_255 = vector.shape_cast %swap3A_254 : vector<16xf32> to vector<16xf32>
          %swap3A_256 = vector.shape_cast %max3A_252 : vector<16xf32> to vector<16xf32>
          tpu.vector_store %arg10[%swap3A_253], %swap3A_256 {strides = array<i32>} : memref<1024xf32, #tpu.memory_space<vmem>>, vector<16xf32>,
          %get3A_257 = arith.index_cast %mul3A_229 : i32 to index
          %get3A_258 = tpu.vector_load %arg9[%get3A_257] {strides = array<i32>} : memref<1024xf32, #tpu.memory_space<vmem>>, vector<16xf32>,
          %get3A_259 = vector.shape_cast %get3A_258 : vector<16xf32> to vector<16xf32>
          %mul3A_260 = arith.constant 6.553700e+04 : f32
          %mul3A_261 = vector.broadcast %mul3A_260 : f32 to vector<16xf32>
          %mul3A_262 = arith.mulf %get3A_259, %mul3A_261 : vector<16xf32>
          %sub3A = arith.subf %mul3A_262, %get3A_259 : vector<16xf32>
          %sub3A_263 = arith.subf %mul3A_262, %sub3A : vector<16xf32>
          %mul3A_264 = arith.constant 6.553700e+04 : f32
          %mul3A_265 = vector.broadcast %mul3A_264 : f32 to vector<16xf32>
          %mul3A_266 = arith.mulf %max3A_252, %mul3A_265 : vector<16xf32>
          %sub3A_267 = arith.subf %mul3A_266, %max3A_252 : vector<16xf32>
          %sub3A_268 = arith.subf %mul3A_266, %sub3A_267 : vector<16xf32>
          %mul3A_269 = arith.mulf %sub3A_268, %sub3A_263 : vector<16xf32>
          %add3A_270 = arith.addf %scan3A_227, %mul3A_269 : vector<16xf32>
          scf.yield %add3A_270 : vector<16xf32>
        }
        %scan3A_165 = arith.constant 64 : i32
        "tpu.region"() ({
          %run_scoped3A_226 = tpu.sem_alloc : memref<!tpu.dma_semaphore, #tpu.memory_space<semaphore_mem>>
          %dma_start3A = arith.constant 0 : i32
          %dma_start3A_227 = tpu.memref_slice %arg6[%add3A, %add3A_153, %dma_start3A] : memref<16x32x1024xf32, #tpu.memory_space<hbm>> -> memref<1x1x1024xf32, #tpu.memory_space<hbm>>
          %dma_start3A_228 = tpu.memref_squeeze %dma_start3A_227 : memref<1x1x1024xf32, #tpu.memory_space<hbm>> -> memref<1024xf32, #tpu.memory_space<hbm>>
          %dma_start3A_229 = arith.constant 0 : i32
          %dma_start3A_230 = tpu.memref_slice %arg6[%add3A, %add3A_153, %dma_start3A_229] : memref<16x32x1024xf32, #tpu.memory_space<hbm>> -> memref<1x1x1024xf32, #tpu.memory_space<hbm>>
          %dma_start3A_231 = tpu.memref_squeeze %dma_start3A_230 : memref<1x1x1024xf32, #tpu.memory_space<hbm>> -> memref<1024xf32, #tpu.memory_space<hbm>>
          tpu.enqueue_dma source(%arg10 : memref<1024xf32, #tpu.memory_space<vmem>>) target(%dma_start3A_231 : memref<1024xf32, #tpu.memory_space<hbm>>) target_semaphore(%run_scoped3A_226 : memref<!tpu.dma_semaphore, #tpu.memory_space<semaphore_mem>>)
          %dma_wait3A = arith.constant 0 : i32
          %dma_wait3A_232 = tpu.memref_slice %arg6[%add3A, %add3A_153, %dma_wait3A] : memref<16x32x1024xf32, #tpu.memory_space<hbm>> -> memref<1x1x1024xf32, #tpu.memory_space<hbm>>
          %dma_wait3A_233 = tpu.memref_squeeze %dma_wait3A_232 : memref<1x1x1024xf32, #tpu.memory_space<hbm>> -> memref<1024xf32, #tpu.memory_space<hbm>>
          %dma_wait3A_234 = arith.constant 0 : i32
          %dma_wait3A_235 = tpu.memref_slice %arg6[%add3A, %add3A_153, %dma_wait3A_234] : memref<16x32x1024xf32, #tpu.memory_space<hbm>> -> memref<1x1x1024xf32, #tpu.memory_space<hbm>>
          %dma_wait3A_236 = tpu.memref_squeeze %dma_wait3A_235 : memref<1x1x1024xf32, #tpu.memory_space<hbm>> -> memref<1024xf32, #tpu.memory_space<hbm>>
          tpu.wait_dma2 semaphore(%run_scoped3A_226 : memref<!tpu.dma_semaphore, #tpu.memory_space<semaphore_mem>>) src(%arg10 : memref<1024xf32, #tpu.memory_space<vmem>>) dst(%dma_wait3A_236 : memref<1024xf32, #tpu.memory_space<hbm>>)
          tpu.yield
        }) : () -> ()
        %iota3A_166 = tpu.iota {dimensions = array<i32: 0>} : vector<16xi32>
        %xor3A_167 = arith.constant 1 : i32
        %xor3A_168 = vector.broadcast %xor3A_167 : i32 to vector<16xi32>
        %xor3A_169 = arith.xori %iota3A_166, %xor3A_168 : vector<16xi32>
        %lt3A_170 = arith.constant 0 : i32
        %lt3A_171 = vector.broadcast %lt3A_170 : i32 to vector<16xi32>
        %lt3A_172 = arith.cmpi slt, %xor3A_169, %lt3A_171 : vector<16xi32>
        %add3A_173 = arith.constant 16 : i32
        %add3A_174 = vector.broadcast %add3A_173 : i32 to vector<16xi32>
        %add3A_175 = arith.addi %xor3A_169, %add3A_174 : vector<16xi32>
        %select_n3A_176 = arith.select %lt3A_172, %add3A_175, %xor3A_169 : vector<16xi1>, vector<16xi32>
        %broadcast_in_dim3A_177 = vector.shape_cast %select_n3A_176 : vector<16xi32> to vector<16x1xi32>
        %gather3A_178 = vector.shape_cast %broadcast_in_dim3A_177 : vector<16x1xi32> to vector<16xi32>
        %gather3A_179 = tpu.dynamic_gather %scan3A_164[%gather3A_178] in [0] : vector<16xf32>, vector<16xi32> -> vector<16xf32>
        %add3A_180 = arith.addf %scan3A_164, %gather3A_179 : vector<16xf32>
        %xor3A_181 = arith.constant 2 : i32
        %xor3A_182 = vector.broadcast %xor3A_181 : i32 to vector<16xi32>
        %xor3A_183 = arith.xori %iota3A_166, %xor3A_182 : vector<16xi32>
        %lt3A_184 = arith.constant 0 : i32
        %lt3A_185 = vector.broadcast %lt3A_184 : i32 to vector<16xi32>
        %lt3A_186 = arith.cmpi slt, %xor3A_183, %lt3A_185 : vector<16xi32>
        %add3A_187 = arith.constant 16 : i32
        %add3A_188 = vector.broadcast %add3A_187 : i32 to vector<16xi32>
        %add3A_189 = arith.addi %xor3A_183, %add3A_188 : vector<16xi32>
        %select_n3A_190 = arith.select %lt3A_186, %add3A_189, %xor3A_183 : vector<16xi1>, vector<16xi32>
        %broadcast_in_dim3A_191 = vector.shape_cast %select_n3A_190 : vector<16xi32> to vector<16x1xi32>
        %gather3A_192 = vector.shape_cast %broadcast_in_dim3A_191 : vector<16x1xi32> to vector<16xi32>
        %gather3A_193 = tpu.dynamic_gather %add3A_180[%gather3A_192] in [0] : vector<16xf32>, vector<16xi32> -> vector<16xf32>
        %add3A_194 = arith.addf %add3A_180, %gather3A_193 : vector<16xf32>
        %xor3A_195 = arith.constant 4 : i32
        %xor3A_196 = vector.broadcast %xor3A_195 : i32 to vector<16xi32>
        %xor3A_197 = arith.xori %iota3A_166, %xor3A_196 : vector<16xi32>
        %lt3A_198 = arith.constant 0 : i32
        %lt3A_199 = vector.broadcast %lt3A_198 : i32 to vector<16xi32>
        %lt3A_200 = arith.cmpi slt, %xor3A_197, %lt3A_199 : vector<16xi32>
        %add3A_201 = arith.constant 16 : i32
        %add3A_202 = vector.broadcast %add3A_201 : i32 to vector<16xi32>
        %add3A_203 = arith.addi %xor3A_197, %add3A_202 : vector<16xi32>
        %select_n3A_204 = arith.select %lt3A_200, %add3A_203, %xor3A_197 : vector<16xi1>, vector<16xi32>
        %broadcast_in_dim3A_205 = vector.shape_cast %select_n3A_204 : vector<16xi32> to vector<16x1xi32>
        %gather3A_206 = vector.shape_cast %broadcast_in_dim3A_205 : vector<16x1xi32> to vector<16xi32>
        %gather3A_207 = tpu.dynamic_gather %add3A_194[%gather3A_206] in [0] : vector<16xf32>, vector<16xi32> -> vector<16xf32>
        %add3A_208 = arith.addf %add3A_194, %gather3A_207 : vector<16xf32>
        %xor3A_209 = arith.constant 8 : i32
        %xor3A_210 = vector.broadcast %xor3A_209 : i32 to vector<16xi32>
        %xor3A_211 = arith.xori %iota3A_166, %xor3A_210 : vector<16xi32>
        %lt3A_212 = arith.constant 0 : i32
        %lt3A_213 = vector.broadcast %lt3A_212 : i32 to vector<16xi32>
        %lt3A_214 = arith.cmpi slt, %xor3A_211, %lt3A_213 : vector<16xi32>
        %add3A_215 = arith.constant 16 : i32
        %add3A_216 = vector.broadcast %add3A_215 : i32 to vector<16xi32>
        %add3A_217 = arith.addi %xor3A_211, %add3A_216 : vector<16xi32>
        %select_n3A_218 = arith.select %lt3A_214, %add3A_217, %xor3A_211 : vector<16xi1>, vector<16xi32>
        %broadcast_in_dim3A_219 = vector.shape_cast %select_n3A_218 : vector<16xi32> to vector<16x1xi32>
        %gather3A_220 = vector.shape_cast %broadcast_in_dim3A_219 : vector<16x1xi32> to vector<16xi32>
        %gather3A_221 = tpu.dynamic_gather %add3A_208[%gather3A_220] in [0] : vector<16xf32>, vector<16xi32> -> vector<16xf32>
        %add3A_222 = arith.addf %add3A_208, %gather3A_221 : vector<16xf32>
        %eq3A_223 = vector.broadcast %scan3A_150 : i32 to vector<16xi32>
        %eq3A_224 = arith.cmpi eq, %iota3A, %eq3A_223 : vector<16xi32>
        %select_n3A_225 = arith.select %eq3A_224, %add3A_222, %scan3A_151 : vector<16xi1>, vector<16xf32>
        scf.yield %select_n3A_225 : vector<16xf32>
      }
      %scan3A_10 = arith.constant 16 : i32
      %swap3A = arith.constant 0 : index
      %swap3A_11 = tpu.vector_load %arg11[%swap3A] {strides = array<i32>} : memref<32xf32, #tpu.memory_space<vmem>>, vector<16xf32>,
      %swap3A_12 = vector.shape_cast %swap3A_11 : vector<16xf32> to vector<16xf32>
      %swap3A_13 = vector.shape_cast %scan3A_9 : vector<16xf32> to vector<16xf32>
      tpu.vector_store %arg11[%swap3A], %swap3A_13 {strides = array<i32>} : memref<32xf32, #tpu.memory_space<vmem>>, vector<16xf32>,
      %scan3A_14 = arith.constant 0 : i32
      %scan3A_15 = arith.constant 16 : i32
      %scan3A_16 = arith.addi %scan3A_14, %scan3A_15 : i32
      %scan3A_17 = arith.constant 1 : i32
      %scan3A_18 = scf.for %scan3A_150 = %scan3A_14 to %scan3A_16 step %scan3A_17 iter_args(%scan3A_151 = %broadcast_in_dim3A_3) -> (vector<16xf32>)  : i32 {
        %add3A_152 = arith.constant 16 : i32
        %add3A_153 = arith.addi %add3A_152, %scan3A_150 : i32
        %mul3A_154 = arith.constant 4 : i32
        %mul3A_155 = arith.muli %add3A_153, %mul3A_154 : i32
        "tpu.region"() ({
          %run_scoped3A_226 = tpu.sem_alloc : memref<!tpu.dma_semaphore, #tpu.memory_space<semaphore_mem>>
          %dma_start3A = arith.constant 0 : i32
          %dma_start3A_227 = tpu.memref_slice %arg2[%add3A, %mul3A_155, %dma_start3A] : memref<16x128x1024xf32, #tpu.memory_space<hbm>> -> memref<1x4x1024xf32, #tpu.memory_space<hbm>>
          %dma_start3A_228 = tpu.memref_squeeze %dma_start3A_227 : memref<1x4x1024xf32, #tpu.memory_space<hbm>> -> memref<4x1024xf32, #tpu.memory_space<hbm>>
          %dma_start3A_229 = arith.constant 0 : i32
          %dma_start3A_230 = tpu.memref_slice %arg2[%add3A, %mul3A_155, %dma_start3A_229] : memref<16x128x1024xf32, #tpu.memory_space<hbm>> -> memref<1x4x1024xf32, #tpu.memory_space<hbm>>
          %dma_start3A_231 = tpu.memref_squeeze %dma_start3A_230 : memref<1x4x1024xf32, #tpu.memory_space<hbm>> -> memref<4x1024xf32, #tpu.memory_space<hbm>>
          tpu.enqueue_dma source(%dma_start3A_231 : memref<4x1024xf32, #tpu.memory_space<hbm>>) target(%arg8 : memref<4x1024xf32, #tpu.memory_space<vmem>>) target_semaphore(%run_scoped3A_226 : memref<!tpu.dma_semaphore, #tpu.memory_space<semaphore_mem>>)
          %dma_wait3A = arith.constant 0 : i32
          %dma_wait3A_232 = tpu.memref_slice %arg2[%add3A, %mul3A_155, %dma_wait3A] : memref<16x128x1024xf32, #tpu.memory_space<hbm>> -> memref<1x4x1024xf32, #tpu.memory_space<hbm>>
          %dma_wait3A_233 = tpu.memref_squeeze %dma_wait3A_232 : memref<1x4x1024xf32, #tpu.memory_space<hbm>> -> memref<4x1024xf32, #tpu.memory_space<hbm>>
          %dma_wait3A_234 = arith.constant 0 : i32
          %dma_wait3A_235 = tpu.memref_slice %arg2[%add3A, %mul3A_155, %dma_wait3A_234] : memref<16x128x1024xf32, #tpu.memory_space<hbm>> -> memref<1x4x1024xf32, #tpu.memory_space<hbm>>
          %dma_wait3A_236 = tpu.memref_squeeze %dma_wait3A_235 : memref<1x4x1024xf32, #tpu.memory_space<hbm>> -> memref<4x1024xf32, #tpu.memory_space<hbm>>
          tpu.wait_dma2 semaphore(%run_scoped3A_226 : memref<!tpu.dma_semaphore, #tpu.memory_space<semaphore_mem>>) src(%dma_wait3A_236 : memref<4x1024xf32, #tpu.memory_space<hbm>>) dst(%arg8 : memref<4x1024xf32, #tpu.memory_space<vmem>>)
          tpu.yield
        }) : () -> ()
        %eq3A_156 = arith.constant 0 : i32
        %eq3A_157 = vector.broadcast %eq3A_156 : i32 to vector<16xi32>
        %eq3A_158 = arith.cmpi eq, %iota3A, %eq3A_157 : vector<16xi32>
        %select_n3A_159 = arith.select %eq3A_158, %get3A_5, %broadcast_in_dim3A_3 : vector<16xi1>, vector<16xf32>
        %scan3A_160 = arith.constant 0 : i32
        %scan3A_161 = arith.constant 64 : i32
        %scan3A_162 = arith.addi %scan3A_160, %scan3A_161 : i32
        %scan3A_163 = arith.constant 1 : i32
        %scan3A_164 = scf.for %scan3A_226 = %scan3A_160 to %scan3A_162 step %scan3A_163 iter_args(%scan3A_227 = %select_n3A_159) -> (vector<16xf32>)  : i32 {
          %mul3A_228 = arith.constant 16 : i32
          %mul3A_229 = arith.muli %scan3A_226, %mul3A_228 : i32
          %get3A_230 = arith.constant 0 : i32
          %get3A_231 = arith.index_cast %get3A_230 : i32 to index
          %get3A_232 = arith.index_cast %mul3A_229 : i32 to index
          %get3A_233 = tpu.vector_load %arg8[%get3A_231, %get3A_232] {strides = array<i32>} : memref<4x1024xf32, #tpu.memory_space<vmem>>, vector<1x16xf32>,
          %get3A_234 = vector.shape_cast %get3A_233 : vector<1x16xf32> to vector<16xf32>
          %get3A_235 = arith.constant 1 : i32
          %get3A_236 = arith.index_cast %get3A_235 : i32 to index
          %get3A_237 = arith.index_cast %mul3A_229 : i32 to index
          %get3A_238 = tpu.vector_load %arg8[%get3A_236, %get3A_237] {strides = array<i32>} : memref<4x1024xf32, #tpu.memory_space<vmem>>, vector<1x16xf32>,
          %get3A_239 = vector.shape_cast %get3A_238 : vector<1x16xf32> to vector<16xf32>
          %get3A_240 = arith.constant 2 : i32
          %get3A_241 = arith.index_cast %get3A_240 : i32 to index
          %get3A_242 = arith.index_cast %mul3A_229 : i32 to index
          %get3A_243 = tpu.vector_load %arg8[%get3A_241, %get3A_242] {strides = array<i32>} : memref<4x1024xf32, #tpu.memory_space<vmem>>, vector<1x16xf32>,
          %get3A_244 = vector.shape_cast %get3A_243 : vector<1x16xf32> to vector<16xf32>
          %get3A_245 = arith.constant 3 : i32
          %get3A_246 = arith.index_cast %get3A_245 : i32 to index
          %get3A_247 = arith.index_cast %mul3A_229 : i32 to index
          %get3A_248 = tpu.vector_load %arg8[%get3A_246, %get3A_247] {strides = array<i32>} : memref<4x1024xf32, #tpu.memory_space<vmem>>, vector<1x16xf32>,
          %get3A_249 = vector.shape_cast %get3A_248 : vector<1x16xf32> to vector<16xf32>
          %max3A_250 = arith.maximumf %get3A_234, %get3A_239 : vector<16xf32>
          %max3A_251 = arith.maximumf %get3A_244, %get3A_249 : vector<16xf32>
          %max3A_252 = arith.maximumf %max3A_250, %max3A_251 : vector<16xf32>
          %swap3A_253 = arith.index_cast %mul3A_229 : i32 to index
          %swap3A_254 = tpu.vector_load %arg10[%swap3A_253] {strides = array<i32>} : memref<1024xf32, #tpu.memory_space<vmem>>, vector<16xf32>,
          %swap3A_255 = vector.shape_cast %swap3A_254 : vector<16xf32> to vector<16xf32>
          %swap3A_256 = vector.shape_cast %max3A_252 : vector<16xf32> to vector<16xf32>
          tpu.vector_store %arg10[%swap3A_253], %swap3A_256 {strides = array<i32>} : memref<1024xf32, #tpu.memory_space<vmem>>, vector<16xf32>,
          %get3A_257 = arith.index_cast %mul3A_229 : i32 to index
          %get3A_258 = tpu.vector_load %arg9[%get3A_257] {strides = array<i32>} : memref<1024xf32, #tpu.memory_space<vmem>>, vector<16xf32>,
          %get3A_259 = vector.shape_cast %get3A_258 : vector<16xf32> to vector<16xf32>
          %mul3A_260 = arith.constant 6.553700e+04 : f32
          %mul3A_261 = vector.broadcast %mul3A_260 : f32 to vector<16xf32>
          %mul3A_262 = arith.mulf %get3A_259, %mul3A_261 : vector<16xf32>
          %sub3A = arith.subf %mul3A_262, %get3A_259 : vector<16xf32>
          %sub3A_263 = arith.subf %mul3A_262, %sub3A : vector<16xf32>
          %mul3A_264 = arith.constant 6.553700e+04 : f32
          %mul3A_265 = vector.broadcast %mul3A_264 : f32 to vector<16xf32>
          %mul3A_266 = arith.mulf %max3A_252, %mul3A_265 : vector<16xf32>
          %sub3A_267 = arith.subf %mul3A_266, %max3A_252 : vector<16xf32>
          %sub3A_268 = arith.subf %mul3A_266, %sub3A_267 : vector<16xf32>
          %mul3A_269 = arith.mulf %sub3A_268, %sub3A_263 : vector<16xf32>
          %add3A_270 = arith.addf %scan3A_227, %mul3A_269 : vector<16xf32>
          scf.yield %add3A_270 : vector<16xf32>
        }
        %scan3A_165 = arith.constant 64 : i32
        "tpu.region"() ({
          %run_scoped3A_226 = tpu.sem_alloc : memref<!tpu.dma_semaphore, #tpu.memory_space<semaphore_mem>>
          %dma_start3A = arith.constant 0 : i32
          %dma_start3A_227 = tpu.memref_slice %arg6[%add3A, %add3A_153, %dma_start3A] : memref<16x32x1024xf32, #tpu.memory_space<hbm>> -> memref<1x1x1024xf32, #tpu.memory_space<hbm>>
          %dma_start3A_228 = tpu.memref_squeeze %dma_start3A_227 : memref<1x1x1024xf32, #tpu.memory_space<hbm>> -> memref<1024xf32, #tpu.memory_space<hbm>>
          %dma_start3A_229 = arith.constant 0 : i32
          %dma_start3A_230 = tpu.memref_slice %arg6[%add3A, %add3A_153, %dma_start3A_229] : memref<16x32x1024xf32, #tpu.memory_space<hbm>> -> memref<1x1x1024xf32, #tpu.memory_space<hbm>>
          %dma_start3A_231 = tpu.memref_squeeze %dma_start3A_230 : memref<1x1x1024xf32, #tpu.memory_space<hbm>> -> memref<1024xf32, #tpu.memory_space<hbm>>
          tpu.enqueue_dma source(%arg10 : memref<1024xf32, #tpu.memory_space<vmem>>) target(%dma_start3A_231 : memref<1024xf32, #tpu.memory_space<hbm>>) target_semaphore(%run_scoped3A_226 : memref<!tpu.dma_semaphore, #tpu.memory_space<semaphore_mem>>)
          %dma_wait3A = arith.constant 0 : i32
          %dma_wait3A_232 = tpu.memref_slice %arg6[%add3A, %add3A_153, %dma_wait3A] : memref<16x32x1024xf32, #tpu.memory_space<hbm>> -> memref<1x1x1024xf32, #tpu.memory_space<hbm>>
          %dma_wait3A_233 = tpu.memref_squeeze %dma_wait3A_232 : memref<1x1x1024xf32, #tpu.memory_space<hbm>> -> memref<1024xf32, #tpu.memory_space<hbm>>
          %dma_wait3A_234 = arith.constant 0 : i32
          %dma_wait3A_235 = tpu.memref_slice %arg6[%add3A, %add3A_153, %dma_wait3A_234] : memref<16x32x1024xf32, #tpu.memory_space<hbm>> -> memref<1x1x1024xf32, #tpu.memory_space<hbm>>
          %dma_wait3A_236 = tpu.memref_squeeze %dma_wait3A_235 : memref<1x1x1024xf32, #tpu.memory_space<hbm>> -> memref<1024xf32, #tpu.memory_space<hbm>>
          tpu.wait_dma2 semaphore(%run_scoped3A_226 : memref<!tpu.dma_semaphore, #tpu.memory_space<semaphore_mem>>) src(%arg10 : memref<1024xf32, #tpu.memory_space<vmem>>) dst(%dma_wait3A_236 : memref<1024xf32, #tpu.memory_space<hbm>>)
          tpu.yield
        }) : () -> ()
        %iota3A_166 = tpu.iota {dimensions = array<i32: 0>} : vector<16xi32>
        %xor3A_167 = arith.constant 1 : i32
        %xor3A_168 = vector.broadcast %xor3A_167 : i32 to vector<16xi32>
        %xor3A_169 = arith.xori %iota3A_166, %xor3A_168 : vector<16xi32>
        %lt3A_170 = arith.constant 0 : i32
        %lt3A_171 = vector.broadcast %lt3A_170 : i32 to vector<16xi32>
        %lt3A_172 = arith.cmpi slt, %xor3A_169, %lt3A_171 : vector<16xi32>
        %add3A_173 = arith.constant 16 : i32
        %add3A_174 = vector.broadcast %add3A_173 : i32 to vector<16xi32>
        %add3A_175 = arith.addi %xor3A_169, %add3A_174 : vector<16xi32>
        %select_n3A_176 = arith.select %lt3A_172, %add3A_175, %xor3A_169 : vector<16xi1>, vector<16xi32>
        %broadcast_in_dim3A_177 = vector.shape_cast %select_n3A_176 : vector<16xi32> to vector<16x1xi32>
        %gather3A_178 = vector.shape_cast %broadcast_in_dim3A_177 : vector<16x1xi32> to vector<16xi32>
        %gather3A_179 = tpu.dynamic_gather %scan3A_164[%gather3A_178] in [0] : vector<16xf32>, vector<16xi32> -> vector<16xf32>
        %add3A_180 = arith.addf %scan3A_164, %gather3A_179 : vector<16xf32>
        %xor3A_181 = arith.constant 2 : i32
        %xor3A_182 = vector.broadcast %xor3A_181 : i32 to vector<16xi32>
        %xor3A_183 = arith.xori %iota3A_166, %xor3A_182 : vector<16xi32>
        %lt3A_184 = arith.constant 0 : i32
        %lt3A_185 = vector.broadcast %lt3A_184 : i32 to vector<16xi32>
        %lt3A_186 = arith.cmpi slt, %xor3A_183, %lt3A_185 : vector<16xi32>
        %add3A_187 = arith.constant 16 : i32
        %add3A_188 = vector.broadcast %add3A_187 : i32 to vector<16xi32>
        %add3A_189 = arith.addi %xor3A_183, %add3A_188 : vector<16xi32>
        %select_n3A_190 = arith.select %lt3A_186, %add3A_189, %xor3A_183 : vector<16xi1>, vector<16xi32>
        %broadcast_in_dim3A_191 = vector.shape_cast %select_n3A_190 : vector<16xi32> to vector<16x1xi32>
        %gather3A_192 = vector.shape_cast %broadcast_in_dim3A_191 : vector<16x1xi32> to vector<16xi32>
        %gather3A_193 = tpu.dynamic_gather %add3A_180[%gather3A_192] in [0] : vector<16xf32>, vector<16xi32> -> vector<16xf32>
        %add3A_194 = arith.addf %add3A_180, %gather3A_193 : vector<16xf32>
        %xor3A_195 = arith.constant 4 : i32
        %xor3A_196 = vector.broadcast %xor3A_195 : i32 to vector<16xi32>
        %xor3A_197 = arith.xori %iota3A_166, %xor3A_196 : vector<16xi32>
        %lt3A_198 = arith.constant 0 : i32
        %lt3A_199 = vector.broadcast %lt3A_198 : i32 to vector<16xi32>
        %lt3A_200 = arith.cmpi slt, %xor3A_197, %lt3A_199 : vector<16xi32>
        %add3A_201 = arith.constant 16 : i32
        %add3A_202 = vector.broadcast %add3A_201 : i32 to vector<16xi32>
        %add3A_203 = arith.addi %xor3A_197, %add3A_202 : vector<16xi32>
        %select_n3A_204 = arith.select %lt3A_200, %add3A_203, %xor3A_197 : vector<16xi1>, vector<16xi32>
        %broadcast_in_dim3A_205 = vector.shape_cast %select_n3A_204 : vector<16xi32> to vector<16x1xi32>
        %gather3A_206 = vector.shape_cast %broadcast_in_dim3A_205 : vector<16x1xi32> to vector<16xi32>
        %gather3A_207 = tpu.dynamic_gather %add3A_194[%gather3A_206] in [0] : vector<16xf32>, vector<16xi32> -> vector<16xf32>
        %add3A_208 = arith.addf %add3A_194, %gather3A_207 : vector<16xf32>
        %xor3A_209 = arith.constant 8 : i32
        %xor3A_210 = vector.broadcast %xor3A_209 : i32 to vector<16xi32>
        %xor3A_211 = arith.xori %iota3A_166, %xor3A_210 : vector<16xi32>
        %lt3A_212 = arith.constant 0 : i32
        %lt3A_213 = vector.broadcast %lt3A_212 : i32 to vector<16xi32>
        %lt3A_214 = arith.cmpi slt, %xor3A_211, %lt3A_213 : vector<16xi32>
        %add3A_215 = arith.constant 16 : i32
        %add3A_216 = vector.broadcast %add3A_215 : i32 to vector<16xi32>
        %add3A_217 = arith.addi %xor3A_211, %add3A_216 : vector<16xi32>
        %select_n3A_218 = arith.select %lt3A_214, %add3A_217, %xor3A_211 : vector<16xi1>, vector<16xi32>
        %broadcast_in_dim3A_219 = vector.shape_cast %select_n3A_218 : vector<16xi32> to vector<16x1xi32>
        %gather3A_220 = vector.shape_cast %broadcast_in_dim3A_219 : vector<16x1xi32> to vector<16xi32>
        %gather3A_221 = tpu.dynamic_gather %add3A_208[%gather3A_220] in [0] : vector<16xf32>, vector<16xi32> -> vector<16xf32>
        %add3A_222 = arith.addf %add3A_208, %gather3A_221 : vector<16xf32>
        %eq3A_223 = vector.broadcast %scan3A_150 : i32 to vector<16xi32>
        %eq3A_224 = arith.cmpi eq, %iota3A, %eq3A_223 : vector<16xi32>
        %select_n3A_225 = arith.select %eq3A_224, %add3A_222, %scan3A_151 : vector<16xi1>, vector<16xf32>
        scf.yield %select_n3A_225 : vector<16xf32>
      }
      %scan3A_19 = arith.constant 16 : i32
      %swap3A_20 = arith.constant 16 : index
      %swap3A_21 = tpu.vector_load %arg11[%swap3A_20] {strides = array<i32>} : memref<32xf32, #tpu.memory_space<vmem>>, vector<16xf32>,
      %swap3A_22 = vector.shape_cast %swap3A_21 : vector<16xf32> to vector<16xf32>
      %swap3A_23 = vector.shape_cast %scan3A_18 : vector<16xf32> to vector<16xf32>
      tpu.vector_store %arg11[%swap3A_20], %swap3A_23 {strides = array<i32>} : memref<32xf32, #tpu.memory_space<vmem>>, vector<16xf32>,
      "tpu.region"() ({
        %run_scoped3A_150 = tpu.sem_alloc : memref<!tpu.dma_semaphore, #tpu.memory_space<semaphore_mem>>
        %dma_start3A = arith.constant 0 : i32
        %dma_start3A_151 = tpu.memref_slice %arg5[%add3A, %dma_start3A] : memref<16x32xf32, #tpu.memory_space<hbm>> -> memref<1x32xf32, #tpu.memory_space<hbm>>
        %dma_start3A_152 = tpu.memref_squeeze %dma_start3A_151 : memref<1x32xf32, #tpu.memory_space<hbm>> -> memref<32xf32, #tpu.memory_space<hbm>>
        %dma_start3A_153 = arith.constant 0 : i32
        %dma_start3A_154 = tpu.memref_slice %arg5[%add3A, %dma_start3A_153] : memref<16x32xf32, #tpu.memory_space<hbm>> -> memref<1x32xf32, #tpu.memory_space<hbm>>
        %dma_start3A_155 = tpu.memref_squeeze %dma_start3A_154 : memref<1x32xf32, #tpu.memory_space<hbm>> -> memref<32xf32, #tpu.memory_space<hbm>>
        tpu.enqueue_dma source(%arg11 : memref<32xf32, #tpu.memory_space<vmem>>) target(%dma_start3A_155 : memref<32xf32, #tpu.memory_space<hbm>>) target_semaphore(%run_scoped3A_150 : memref<!tpu.dma_semaphore, #tpu.memory_space<semaphore_mem>>)
        %dma_wait3A = arith.constant 0 : i32
        %dma_wait3A_156 = tpu.memref_slice %arg5[%add3A, %dma_wait3A] : memref<16x32xf32, #tpu.memory_space<hbm>> -> memref<1x32xf32, #tpu.memory_space<hbm>>
        %dma_wait3A_157 = tpu.memref_squeeze %dma_wait3A_156 : memref<1x32xf32, #tpu.memory_space<hbm>> -> memref<32xf32, #tpu.memory_space<hbm>>
        %dma_wait3A_158 = arith.constant 0 : i32
        %dma_wait3A_159 = tpu.memref_slice %arg5[%add3A, %dma_wait3A_158] : memref<16x32xf32, #tpu.memory_space<hbm>> -> memref<1x32xf32, #tpu.memory_space<hbm>>
        %dma_wait3A_160 = tpu.memref_squeeze %dma_wait3A_159 : memref<1x32xf32, #tpu.memory_space<hbm>> -> memref<32xf32, #tpu.memory_space<hbm>>
        tpu.wait_dma2 semaphore(%run_scoped3A_150 : memref<!tpu.dma_semaphore, #tpu.memory_space<semaphore_mem>>) src(%arg11 : memref<32xf32, #tpu.memory_space<vmem>>) dst(%dma_wait3A_160 : memref<32xf32, #tpu.memory_space<hbm>>)
        tpu.yield
      }) : () -> ()
      %get3A_24 = arith.constant 0 : index
      %get3A_25 = tpu.vector_load %arg11[%get3A_24] {strides = array<i32>} : memref<32xf32, #tpu.memory_space<vmem>>, vector<16xf32>,
      %get3A_26 = vector.shape_cast %get3A_25 : vector<16xf32> to vector<16xf32>
      %get3A_27 = arith.constant 16 : index
      %get3A_28 = tpu.vector_load %arg11[%get3A_27] {strides = array<i32>} : memref<32xf32, #tpu.memory_space<vmem>>, vector<16xf32>,
      %get3A_29 = vector.shape_cast %get3A_28 : vector<16xf32> to vector<16xf32>
      %max3A = arith.maximumf %get3A_26, %get3A_29 : vector<16xf32>
      %ge3A = arith.cmpf oge, %get3A_26, %get3A_29 : vector<16xf32>
      %add3A_30 = arith.constant 16 : i32
      %add3A_31 = vector.broadcast %add3A_30 : i32 to vector<16xi32>
      %add3A_32 = arith.addi %iota3A, %add3A_31 : vector<16xi32>
      %select_n3A = arith.select %ge3A, %iota3A, %add3A_32 : vector<16xi1>, vector<16xi32>
      %iota3A_33 = tpu.iota {dimensions = array<i32: 0>} : vector<16xi32>
      %xor3A = arith.constant 1 : i32
      %xor3A_34 = vector.broadcast %xor3A : i32 to vector<16xi32>
      %xor3A_35 = arith.xori %iota3A_33, %xor3A_34 : vector<16xi32>
      %lt3A_36 = arith.constant 0 : i32
      %lt3A_37 = vector.broadcast %lt3A_36 : i32 to vector<16xi32>
      %lt3A_38 = arith.cmpi slt, %xor3A_35, %lt3A_37 : vector<16xi32>
      %add3A_39 = arith.constant 16 : i32
      %add3A_40 = vector.broadcast %add3A_39 : i32 to vector<16xi32>
      %add3A_41 = arith.addi %xor3A_35, %add3A_40 : vector<16xi32>
      %select_n3A_42 = arith.select %lt3A_38, %add3A_41, %xor3A_35 : vector<16xi1>, vector<16xi32>
      %broadcast_in_dim3A_43 = vector.shape_cast %select_n3A_42 : vector<16xi32> to vector<16x1xi32>
      %gather3A = vector.shape_cast %broadcast_in_dim3A_43 : vector<16x1xi32> to vector<16xi32>
      %gather3A_44 = tpu.dynamic_gather %max3A[%gather3A] in [0] : vector<16xf32>, vector<16xi32> -> vector<16xf32>
      %max3A_45 = arith.maximumf %max3A, %gather3A_44 : vector<16xf32>
      %xor3A_46 = arith.constant 2 : i32
      %xor3A_47 = vector.broadcast %xor3A_46 : i32 to vector<16xi32>
      %xor3A_48 = arith.xori %iota3A_33, %xor3A_47 : vector<16xi32>
      %lt3A_49 = arith.constant 0 : i32
      %lt3A_50 = vector.broadcast %lt3A_49 : i32 to vector<16xi32>
      %lt3A_51 = arith.cmpi slt, %xor3A_48, %lt3A_50 : vector<16xi32>
      %add3A_52 = arith.constant 16 : i32
      %add3A_53 = vector.broadcast %add3A_52 : i32 to vector<16xi32>
      %add3A_54 = arith.addi %xor3A_48, %add3A_53 : vector<16xi32>
      %select_n3A_55 = arith.select %lt3A_51, %add3A_54, %xor3A_48 : vector<16xi1>, vector<16xi32>
      %broadcast_in_dim3A_56 = vector.shape_cast %select_n3A_55 : vector<16xi32> to vector<16x1xi32>
      %gather3A_57 = vector.shape_cast %broadcast_in_dim3A_56 : vector<16x1xi32> to vector<16xi32>
      %gather3A_58 = tpu.dynamic_gather %max3A_45[%gather3A_57] in [0] : vector<16xf32>, vector<16xi32> -> vector<16xf32>
      %max3A_59 = arith.maximumf %max3A_45, %gather3A_58 : vector<16xf32>
      %xor3A_60 = arith.constant 4 : i32
      %xor3A_61 = vector.broadcast %xor3A_60 : i32 to vector<16xi32>
      %xor3A_62 = arith.xori %iota3A_33, %xor3A_61 : vector<16xi32>
      %lt3A_63 = arith.constant 0 : i32
      %lt3A_64 = vector.broadcast %lt3A_63 : i32 to vector<16xi32>
      %lt3A_65 = arith.cmpi slt, %xor3A_62, %lt3A_64 : vector<16xi32>
      %add3A_66 = arith.constant 16 : i32
      %add3A_67 = vector.broadcast %add3A_66 : i32 to vector<16xi32>
      %add3A_68 = arith.addi %xor3A_62, %add3A_67 : vector<16xi32>
      %select_n3A_69 = arith.select %lt3A_65, %add3A_68, %xor3A_62 : vector<16xi1>, vector<16xi32>
      %broadcast_in_dim3A_70 = vector.shape_cast %select_n3A_69 : vector<16xi32> to vector<16x1xi32>
      %gather3A_71 = vector.shape_cast %broadcast_in_dim3A_70 : vector<16x1xi32> to vector<16xi32>
      %gather3A_72 = tpu.dynamic_gather %max3A_59[%gather3A_71] in [0] : vector<16xf32>, vector<16xi32> -> vector<16xf32>
      %max3A_73 = arith.maximumf %max3A_59, %gather3A_72 : vector<16xf32>
      %xor3A_74 = arith.constant 8 : i32
      %xor3A_75 = vector.broadcast %xor3A_74 : i32 to vector<16xi32>
      %xor3A_76 = arith.xori %iota3A_33, %xor3A_75 : vector<16xi32>
      %lt3A_77 = arith.constant 0 : i32
      %lt3A_78 = vector.broadcast %lt3A_77 : i32 to vector<16xi32>
      %lt3A_79 = arith.cmpi slt, %xor3A_76, %lt3A_78 : vector<16xi32>
      %add3A_80 = arith.constant 16 : i32
      %add3A_81 = vector.broadcast %add3A_80 : i32 to vector<16xi32>
      %add3A_82 = arith.addi %xor3A_76, %add3A_81 : vector<16xi32>
      %select_n3A_83 = arith.select %lt3A_79, %add3A_82, %xor3A_76 : vector<16xi1>, vector<16xi32>
      %broadcast_in_dim3A_84 = vector.shape_cast %select_n3A_83 : vector<16xi32> to vector<16x1xi32>
      %gather3A_85 = vector.shape_cast %broadcast_in_dim3A_84 : vector<16x1xi32> to vector<16xi32>
      %gather3A_86 = tpu.dynamic_gather %max3A_73[%gather3A_85] in [0] : vector<16xf32>, vector<16xi32> -> vector<16xf32>
      %max3A_87 = arith.maximumf %max3A_73, %gather3A_86 : vector<16xf32>
      %eq3A = arith.cmpf oeq, %max3A, %max3A_87 : vector<16xf32>
      %jit3A = arith.constant 1073741824 : i32
      %broadcast_in_dim3A_88 = vector.broadcast %jit3A : i32 to vector<16xi32>
      %select_n3A_89 = arith.select %eq3A, %select_n3A, %broadcast_in_dim3A_88 : vector<16xi1>, vector<16xi32>
      %iota3A_90 = tpu.iota {dimensions = array<i32: 0>} : vector<16xi32>
      %xor3A_91 = arith.constant 1 : i32
      %xor3A_92 = vector.broadcast %xor3A_91 : i32 to vector<16xi32>
      %xor3A_93 = arith.xori %iota3A_90, %xor3A_92 : vector<16xi32>
      %lt3A_94 = arith.constant 0 : i32
      %lt3A_95 = vector.broadcast %lt3A_94 : i32 to vector<16xi32>
      %lt3A_96 = arith.cmpi slt, %xor3A_93, %lt3A_95 : vector<16xi32>
      %add3A_97 = arith.constant 16 : i32
      %add3A_98 = vector.broadcast %add3A_97 : i32 to vector<16xi32>
      %add3A_99 = arith.addi %xor3A_93, %add3A_98 : vector<16xi32>
      %select_n3A_100 = arith.select %lt3A_96, %add3A_99, %xor3A_93 : vector<16xi1>, vector<16xi32>
      %broadcast_in_dim3A_101 = vector.shape_cast %select_n3A_100 : vector<16xi32> to vector<16x1xi32>
      %gather3A_102 = vector.shape_cast %broadcast_in_dim3A_101 : vector<16x1xi32> to vector<16xi32>
      %gather3A_103 = tpu.dynamic_gather %select_n3A_89[%gather3A_102] in [0] : vector<16xi32>, vector<16xi32> -> vector<16xi32>
      %min3A = arith.minsi %select_n3A_89, %gather3A_103 : vector<16xi32>
      %xor3A_104 = arith.constant 2 : i32
      %xor3A_105 = vector.broadcast %xor3A_104 : i32 to vector<16xi32>
      %xor3A_106 = arith.xori %iota3A_90, %xor3A_105 : vector<16xi32>
      %lt3A_107 = arith.constant 0 : i32
      %lt3A_108 = vector.broadcast %lt3A_107 : i32 to vector<16xi32>
      %lt3A_109 = arith.cmpi slt, %xor3A_106, %lt3A_108 : vector<16xi32>
      %add3A_110 = arith.constant 16 : i32
      %add3A_111 = vector.broadcast %add3A_110 : i32 to vector<16xi32>
      %add3A_112 = arith.addi %xor3A_106, %add3A_111 : vector<16xi32>
      %select_n3A_113 = arith.select %lt3A_109, %add3A_112, %xor3A_106 : vector<16xi1>, vector<16xi32>
      %broadcast_in_dim3A_114 = vector.shape_cast %select_n3A_113 : vector<16xi32> to vector<16x1xi32>
      %gather3A_115 = vector.shape_cast %broadcast_in_dim3A_114 : vector<16x1xi32> to vector<16xi32>
      %gather3A_116 = tpu.dynamic_gather %min3A[%gather3A_115] in [0] : vector<16xi32>, vector<16xi32> -> vector<16xi32>
      %min3A_117 = arith.minsi %min3A, %gather3A_116 : vector<16xi32>
      %xor3A_118 = arith.constant 4 : i32
      %xor3A_119 = vector.broadcast %xor3A_118 : i32 to vector<16xi32>
      %xor3A_120 = arith.xori %iota3A_90, %xor3A_119 : vector<16xi32>
      %lt3A_121 = arith.constant 0 : i32
      %lt3A_122 = vector.broadcast %lt3A_121 : i32 to vector<16xi32>
      %lt3A_123 = arith.cmpi slt, %xor3A_120, %lt3A_122 : vector<16xi32>
      %add3A_124 = arith.constant 16 : i32
      %add3A_125 = vector.broadcast %add3A_124 : i32 to vector<16xi32>
      %add3A_126 = arith.addi %xor3A_120, %add3A_125 : vector<16xi32>
      %select_n3A_127 = arith.select %lt3A_123, %add3A_126, %xor3A_120 : vector<16xi1>, vector<16xi32>
      %broadcast_in_dim3A_128 = vector.shape_cast %select_n3A_127 : vector<16xi32> to vector<16x1xi32>
      %gather3A_129 = vector.shape_cast %broadcast_in_dim3A_128 : vector<16x1xi32> to vector<16xi32>
      %gather3A_130 = tpu.dynamic_gather %min3A_117[%gather3A_129] in [0] : vector<16xi32>, vector<16xi32> -> vector<16xi32>
      %min3A_131 = arith.minsi %min3A_117, %gather3A_130 : vector<16xi32>
      %xor3A_132 = arith.constant 8 : i32
      %xor3A_133 = vector.broadcast %xor3A_132 : i32 to vector<16xi32>
      %xor3A_134 = arith.xori %iota3A_90, %xor3A_133 : vector<16xi32>
      %lt3A_135 = arith.constant 0 : i32
      %lt3A_136 = vector.broadcast %lt3A_135 : i32 to vector<16xi32>
      %lt3A_137 = arith.cmpi slt, %xor3A_134, %lt3A_136 : vector<16xi32>
      %add3A_138 = arith.constant 16 : i32
      %add3A_139 = vector.broadcast %add3A_138 : i32 to vector<16xi32>
      %add3A_140 = arith.addi %xor3A_134, %add3A_139 : vector<16xi32>
      %select_n3A_141 = arith.select %lt3A_137, %add3A_140, %xor3A_134 : vector<16xi1>, vector<16xi32>
      %broadcast_in_dim3A_142 = vector.shape_cast %select_n3A_141 : vector<16xi32> to vector<16x1xi32>
      %gather3A_143 = vector.shape_cast %broadcast_in_dim3A_142 : vector<16x1xi32> to vector<16xi32>
      %gather3A_144 = tpu.dynamic_gather %min3A_131[%gather3A_143] in [0] : vector<16xi32>, vector<16xi32> -> vector<16xi32>
      %min3A_145 = arith.minsi %min3A_131, %gather3A_144 : vector<16xi32>
      %swap3A_146 = arith.constant 0 : index
      %swap3A_147 = tpu.vector_load %arg13[%swap3A_146] {strides = array<i32>} : memref<16xi32, #tpu.memory_space<vmem>>, vector<16xi32>,
      %swap3A_148 = vector.shape_cast %swap3A_147 : vector<16xi32> to vector<16xi32>
      %swap3A_149 = vector.shape_cast %min3A_145 : vector<16xi32> to vector<16xi32>
      tpu.vector_store %arg13[%swap3A_146], %swap3A_149 {strides = array<i32>} : memref<16xi32, #tpu.memory_space<vmem>>, vector<16xi32>,
      "tpu.region"() ({
        %run_scoped3A_150 = tpu.sem_alloc : memref<!tpu.dma_semaphore, #tpu.memory_space<semaphore_mem>>
        %dma_start3A = arith.constant 0 : i32
        %dma_start3A_151 = tpu.memref_slice %arg7[%add3A, %dma_start3A] : memref<16x16xi32, #tpu.memory_space<hbm>> -> memref<1x16xi32, #tpu.memory_space<hbm>>
        %dma_start3A_152 = tpu.memref_squeeze %dma_start3A_151 : memref<1x16xi32, #tpu.memory_space<hbm>> -> memref<16xi32, #tpu.memory_space<hbm>>
        %dma_start3A_153 = arith.constant 0 : i32
        %dma_start3A_154 = tpu.memref_slice %arg7[%add3A, %dma_start3A_153] : memref<16x16xi32, #tpu.memory_space<hbm>> -> memref<1x16xi32, #tpu.memory_space<hbm>>
        %dma_start3A_155 = tpu.memref_squeeze %dma_start3A_154 : memref<1x16xi32, #tpu.memory_space<hbm>> -> memref<16xi32, #tpu.memory_space<hbm>>
        tpu.enqueue_dma source(%arg13 : memref<16xi32, #tpu.memory_space<vmem>>) target(%dma_start3A_155 : memref<16xi32, #tpu.memory_space<hbm>>) target_semaphore(%run_scoped3A_150 : memref<!tpu.dma_semaphore, #tpu.memory_space<semaphore_mem>>)
        %dma_wait3A = arith.constant 0 : i32
        %dma_wait3A_156 = tpu.memref_slice %arg7[%add3A, %dma_wait3A] : memref<16x16xi32, #tpu.memory_space<hbm>> -> memref<1x16xi32, #tpu.memory_space<hbm>>
        %dma_wait3A_157 = tpu.memref_squeeze %dma_wait3A_156 : memref<1x16xi32, #tpu.memory_space<hbm>> -> memref<16xi32, #tpu.memory_space<hbm>>
        %dma_wait3A_158 = arith.constant 0 : i32
        %dma_wait3A_159 = tpu.memref_slice %arg7[%add3A, %dma_wait3A_158] : memref<16x16xi32, #tpu.memory_space<hbm>> -> memref<1x16xi32, #tpu.memory_space<hbm>>
        %dma_wait3A_160 = tpu.memref_squeeze %dma_wait3A_159 : memref<1x16xi32, #tpu.memory_space<hbm>> -> memref<16xi32, #tpu.memory_space<hbm>>
        tpu.wait_dma2 semaphore(%run_scoped3A_150 : memref<!tpu.dma_semaphore, #tpu.memory_space<semaphore_mem>>) src(%arg13 : memref<16xi32, #tpu.memory_space<vmem>>) dst(%dma_wait3A_160 : memref<16xi32, #tpu.memory_space<hbm>>)
        tpu.yield
      }) : () -> ()
    } else {
    }
    return
  }
}

module attributes {stable_mosaic.version = 14 : i64} {
  func.func @_tc_body(%arg0: i32, %arg1: memref<1x128x2xi32, #tpu.memory_space<vmem>>, %arg2: memref<1x2048x1024xf32, #tpu.memory_space<vmem>>, %arg3: memref<1x128x1024xf32, #tpu.memory_space<vmem>>) attributes {dimension_semantics = [#tpu.dimension_semantics<arbitrary>], iteration_bounds = array<i64: 16>, scalar_prefetch = 0 : i64, scratch_operands = 0 : i64, tpu.core_type = #tpu.core_type<tc>, window_params = [{transform_indices = @transform_0, window_bounds = array<i64: 1, 128, 2>}, {transform_indices = @transform_1, window_bounds = array<i64: 1, 2048, 1024>}, {transform_indices = @transform_2, window_bounds = array<i64: 1, 128, 1024>}]} {
    %get3A = arith.constant 0 : index
    %get3A_0 = arith.constant 0 : index
    %get3A_1 = arith.constant 0 : index
    %get3A_2 = vector.load %arg1[%get3A, %get3A_0, %get3A_1] : memref<1x128x2xi32, #tpu.memory_space<vmem>>, vector<1x128x2xi32>
    %get3A_3 = vector.shape_cast %get3A_2 : vector<1x128x2xi32> to vector<128x2xi32>
    %slice3A = vector.extract_strided_slice %get3A_3 {offsets = [0, 0], sizes = [128, 1], strides = [1, 1]} : vector<128x2xi32> to vector<128x1xi32>
    %slice3A_4 = vector.extract_strided_slice %get3A_3 {offsets = [0, 1], sizes = [128, 1], strides = [1, 1]} : vector<128x2xi32> to vector<128x1xi32>
    %iota3A = tpu.iota {dimensions = array<i32: 1>} : vector<128x2048xi32>
    %ge3A = vector.broadcast %slice3A : vector<128x1xi32> to vector<128x2048xi32>
    %ge3A_5 = arith.cmpi sge, %iota3A, %ge3A : vector<128x2048xi32>
    %le3A = vector.broadcast %slice3A_4 : vector<128x1xi32> to vector<128x2048xi32>
    %le3A_6 = arith.cmpi sle, %iota3A, %le3A : vector<128x2048xi32>
    %and3A = arith.andi %ge3A_5, %le3A_6 : vector<128x2048xi1>
    %convert_element_type3A = arith.extui %and3A : vector<128x2048xi1> to vector<128x2048xi32>
    %convert_element_type3A_7 = arith.sitofp %convert_element_type3A : vector<128x2048xi32> to vector<128x2048xf32>
    %convert_element_type3A_8 = arith.truncf %convert_element_type3A_7 : vector<128x2048xf32> to vector<128x2048xbf16>
    %get3A_9 = arith.constant 0 : index
    %get3A_10 = arith.constant 0 : index
    %get3A_11 = arith.constant 0 : index
    %get3A_12 = vector.load %arg2[%get3A_9, %get3A_10, %get3A_11] : memref<1x2048x1024xf32, #tpu.memory_space<vmem>>, vector<1x2048x1024xf32>
    %get3A_13 = vector.shape_cast %get3A_12 : vector<1x2048x1024xf32> to vector<2048x1024xf32>
    %convert_element_type3A_14 = arith.truncf %get3A_13 : vector<2048x1024xf32> to vector<2048x1024xbf16>
    %dot_general3A = arith.constant dense<0.000000e+00> : vector<128x1024xf32>
    %dot_general3A_15 = tpu.matmul %convert_element_type3A_8, %convert_element_type3A_14, %dot_general3A {dimension_numbers = #tpu.dot_dimension_numbers<[1], [0], [0], [1], [0, 0, 1, 1], [], []>, transpose_lhs_hint = false} : vector<128x2048xbf16>, vector<2048x1024xbf16>, vector<128x1024xf32> -> vector<128x1024xf32>
    %sub3A = arith.subi %slice3A_4, %slice3A : vector<128x1xi32>
    %add3A = arith.constant 1 : i32
    %add3A_16 = vector.broadcast %add3A : i32 to vector<128x1xi32>
    %add3A_17 = arith.addi %sub3A, %add3A_16 : vector<128x1xi32>
    %convert_element_type3A_18 = arith.sitofp %add3A_17 : vector<128x1xi32> to vector<128x1xf32>
    %div3A = vector.broadcast %convert_element_type3A_18 : vector<128x1xf32> to vector<128x1024xf32>
    %div3A_19 = arith.divf %dot_general3A_15, %div3A : vector<128x1024xf32>
    %swap3A = arith.constant 0 : index
    %swap3A_20 = arith.constant 0 : index
    %swap3A_21 = arith.constant 0 : index
    %swap3A_22 = vector.load %arg3[%swap3A, %swap3A_20, %swap3A_21] : memref<1x128x1024xf32, #tpu.memory_space<vmem>>, vector<1x128x1024xf32>
    %swap3A_23 = vector.shape_cast %swap3A_22 : vector<1x128x1024xf32> to vector<128x1024xf32>
    %swap3A_24 = vector.shape_cast %div3A_19 : vector<128x1024xf32> to vector<1x128x1024xf32>
    tpu.vector_store %arg3[%swap3A, %swap3A_20, %swap3A_21], %swap3A_24 {strides = array<i32>} : memref<1x128x1024xf32, #tpu.memory_space<vmem>>, vector<1x128x1024xf32>,
    return
  }
  func.func @transform_0(%arg0: i32) -> (i32, i32, i32) {
    %c0_i32 = arith.constant 0 : i32
    %c0_i32_0 = arith.constant 0 : i32
    %c0_i32_1 = arith.constant 0 : i32
    return %arg0, %c0_i32, %c0_i32_0 : i32, i32, i32
  }
  func.func @transform_1(%arg0: i32) -> (i32, i32, i32) {
    %c0_i32 = arith.constant 0 : i32
    %c0_i32_0 = arith.constant 0 : i32
    %c0_i32_1 = arith.constant 0 : i32
    return %arg0, %c0_i32, %c0_i32_0 : i32, i32, i32
  }
  func.func @transform_2(%arg0: i32) -> (i32, i32, i32) {
    %c0_i32 = arith.constant 0 : i32
    %c0_i32_0 = arith.constant 0 : i32
    %c0_i32_1 = arith.constant 0 : i32
    return %arg0, %c0_i32, %c0_i32_0 : i32, i32, i32
  }
}

</mosaic_0001>

<sc_bundles>
// kernel: kernel.4.cloned.1.call-start
scs
__scs_entry_jumppad:
0x0: {  	(pc) =	sbr.rel $0x88, $3  }
0x1: {  	(tag) =	ssettag $0x0;
	lr =	simm.s32 $0x1  }
0x2: {  	[smem:$0x3F9D] =	sst lr;
	_ =	strace $0xD0000000  }
0x3: {  	_ = 	snop  }
0x4: {  	_ = 	snop  }
0x5: {  	_ = 	snop  }
0x6: {  	_ = 	snop  }
0x7: {  	_ = 	snop  }
__scs_overlays_trampoline_lowered:
0x8: {  	[smem:$0x3FAC] =	sst s0  }
0x9: {  	[smem:$0x3FAD] =	sst s1  }
0xa: {  	[smem:$0x3FAE] =	sst s2  }
0xb: {  	[smem:$0x3FAF] =	sst s3  }
0xc: {  	[smem:$0x3FB0] =	sst s4  }
0xd: {  	[smem:$0x3FB1] =	sst s5  }
0xe: {  	[smem:$0x3FB2] =	sst s6  }
0xf: {  	[smem:$0x3FB3] =	sst s7  }
0x10: {  	[smem:$0x3FB4] =	sst s8  }
0x11: {  	[smem:$0x3FB5] =	sst s9;
	s0 =	simm.s32 @!p0 $0x0  }
0x12: {  	s1 =	sld [smem:$0x3F9B];
	s0 =	simm.s32 @p0 $0x1  }
0x13: {  	[smem:$0x3FB6] =	sst s0;
	s0 =	simm.s32 @!p1 $0x0  }
0x14: {  	s2 =	sld [smem:$0x3F9A];
	s0 =	simm.s32 @p1 $0x1  }
0x15: {  	[smem:$0x3FB7] =	sst s0;
	s0 =	simm.s32 @!p2 $0x0  }
0x16: {  	s3 =	sld [smem:$0x3FDB];
	s0 =	simm.s32 @p2 $0x1  }
0x17: {  	s4 =	simm.s32 $0x1BF5;
	[smem:$0x3FB9] =	sst s0  }
0x18: {  	s0 =	sld [smem:$0x3F9C];
	_ =	swait.ge [sflag:s4], $0x0  }
0x19: {  	s7 =	sld [smem:$0x3F9D]  }
0x1a: {  	s8 =	sadd.s32 $0xFFFFE003, lr  }
0x1b: {  	s9 =	sadd.s32 $0xFFFFFEF7, lr;
	s5 =	simm.s32 $0xFFFFFFFF;
	p2 =	slt.u32 s8, $0xFFFFF086  }
0x1c: {  	p1 =	slt.u32 s9, $0xF7A;
	s5 =	simm.s32 @!p2 $0x0  }
0x1d: {  	s5 =	simm.s32 @p1 $0x1;
	p0 =	seq.s32 s7, s2  }
0x1e: {  	s7 =	smul.u32 @!p0 $0xF7A, s2;
	p2 =	seq.s32 @!p0 s5, $0x0  }
0x1f: {  	s9 =	smul.u32 $0xF7A, s1;
	s8 =	simm.s32 @!p0 $0x1BF5;
	p2 =	por !p2, p0  }
0x20: {  	[sflag:s8] =	ssyncset.s32 @!p0 $0xFFFFF086;
	s6 =	sadd.s32 @!p0 s3, s7;
	s7 =	simm.s32 @!p0 $0x108  }
0x21: {  	s3 =	sadd.s32 s3, s9;
	s6 =	sadd.s32 @!p0 $0x88, s6;
	s7 =	simm.s32 @p2 $0x1082  }
0x22: {  	[simem:s7], [sflag:s8] =	dma.local @!p0 [hbm:s6], $0xF7A  }
0x23: {  	s9 =	sor.u32 $0xD0000000, s2;
	s6 =	simm.s32 $0x108;
	_ =	swait.ge @!p0 [sflag:s8], $0x0  }
0x24: {  	s3 =	sadd.s32 $0x88, s3;
	s6 =	simm.s32 @!p1 $0x1082;
	[sflag:s4] =	ssyncset.s32 $0xFFFFF086  }
0x25: {  	[simem:s6], [sflag:s4] =	dma.local [hbm:s3], $0xF7A  }
0x26: {  	[smem:$0x3F9D] =	sst s1;
	(tag) =	ssettag s2;
	_ =	strace s9  }
0x27: {  	s1 =	sld [smem:$0x3FAD]  }
0x28: {  	s2 =	sld [smem:$0x3FAE]  }
0x29: {  	s4 =	sld [smem:$0x3FB0]  }
0x2a: {  	p0 =	seq.s32 s5, $0x0;
	s5 =	sld [smem:$0x3FB1]  }
0x2b: {  	s6 =	sld [smem:$0x3FB2]  }
0x2c: {  	s7 =	sld [smem:$0x3FB3]  }
0x2d: {  	s3 =	simm.s32 $0x108;
	s8 =	sld [smem:$0x3FB4]  }
0x2e: {  	s3 =	simm.s32 @!p0 $0x1082;
	s9 =	sld [smem:$0x3FB5]  }
0x2f: {  	lr =	sadd.s32 s0, s3;
	s0 =	sld [smem:$0x3FAC]  }
0x30: {  	s3 =	sld [smem:$0x3FAF]  }
0x31: {  	[smem:$0x3FB8] =	sst s10  }
0x32: {  	s10 =	sld [smem:$0x3FB6];
	_ =	sdelay $0x3  }
0x33: {  	p0 =	seq.s32 s10, $0x1;
	s10 =	sld [smem:$0x3FB8];
	_ =	sdelay $0x3  }
0x34: {  	[smem:$0x3FB8] =	sst s10  }
0x35: {  	s10 =	sld [smem:$0x3FB7];
	_ =	sdelay $0x3  }
0x36: {  	p1 =	seq.s32 s10, $0x1;
	s10 =	sld [smem:$0x3FB8];
	_ =	sdelay $0x3  }
0x37: {  	[smem:$0x3FB8] =	sst s10  }
0x38: {  	s10 =	sld [smem:$0x3FB9]  }
0x39: {  	_ = 	snop;
	(pc) =	sbr.ind lr, $3  }
0x3a: {  	_ = 	snop  }
0x3b: {  	_ = 	snop  }
0x3c: {  	p2 =	seq.s32 s10, $0x1;
	s10 =	sld [smem:$0x3FB8]  }
0x3d: {  	_ =	shalt  }
0x3e: {  	_ =	shalt  }
0x3f: {  	_ =	shalt  }
0x40: {  	_ =	shalt  }
0x41: {  	_ =	shalt  }
0x42: {  	_ =	shalt  }
0x43: {  	_ =	shalt  }
0x44: {  	_ =	shalt  }
0x45: {  	_ =	shalt  }
0x46: {  	_ =	shalt  }
0x47: {  	_ =	shalt  }
0x48: {  	_ =	shalt  }
0x49: {  	_ =	shalt  }
0x4a: {  	_ =	shalt  }
0x4b: {  	_ =	shalt  }
0x4c: {  	_ =	shalt  }
0x4d: {  	_ =	shalt  }
0x4e: {  	_ =	shalt  }
0x4f: {  	_ =	shalt  }
0x50: {  	_ =	shalt  }
0x51: {  	_ =	shalt  }
0x52: {  	_ =	shalt  }
0x53: {  	_ =	shalt  }
0x54: {  	_ =	shalt  }
0x55: {  	_ =	shalt  }
0x56: {  	_ =	shalt  }
0x57: {  	_ =	shalt  }
0x58: {  	_ =	shalt  }
0x59: {  	_ =	shalt  }
0x5a: {  	_ =	shalt  }
0x5b: {  	_ =	shalt  }
0x5c: {  	_ =	shalt  }
0x5d: {  	_ =	shalt  }
0x5e: {  	_ =	shalt  }
0x5f: {  	_ =	shalt  }
0x60: {  	_ =	shalt  }
0x61: {  	_ =	shalt  }
0x62: {  	_ =	shalt  }
0x63: {  	_ =	shalt  }
0x64: {  	_ =	shalt  }
0x65: {  	_ =	shalt  }
0x66: {  	_ =	shalt  }
0x67: {  	_ =	shalt  }
0x68: {  	_ =	shalt  }
0x69: {  	_ =	shalt  }
0x6a: {  	_ =	shalt  }
0x6b: {  	_ =	shalt  }
0x6c: {  	_ =	shalt  }
0x6d: {  	_ =	shalt  }
0x6e: {  	_ =	shalt  }
0x6f: {  	_ =	shalt  }
0x70: {  	_ =	shalt  }
0x71: {  	_ =	shalt  }
0x72: {  	_ =	shalt  }
0x73: {  	_ =	shalt  }
0x74: {  	_ =	shalt  }
0x75: {  	_ =	shalt  }
0x76: {  	_ =	shalt  }
0x77: {  	_ =	shalt  }
0x78: {  	_ =	shalt  }
0x79: {  	_ =	shalt  }
0x7a: {  	_ =	shalt  }
0x7b: {  	_ =	shalt  }
0x7c: {  	_ =	shalt  }
0x7d: {  	_ =	shalt  }
0x7e: {  	_ =	shalt  }
0x7f: {  	_ =	shalt  }
0x80: {  	_ =	shalt  }
0x81: {  	_ =	shalt  }
0x82: {  	_ =	shalt  }
0x83: {  	_ =	shalt  }
0x84: {  	_ =	shalt  }
0x85: {  	_ =	shalt  }
0x86: {  	_ =	shalt  }
0x87: {  	_ =	shalt  }
.Lfunc_end0:
.L_simem_size_0:
called_computation_lowered:
.L_overlay_start_0:
0x88: {  	s2 =	sld [smem:$0x3FD9]  }
0x89: {  	s3 =	sld [smem:$0x3FFE];
	_ =	sdelay $0x1  }
0x8a: {  	s1 =	srdreg.scid  }
0x8b: {  	s0 =	sand.u32 $0x1, s1  }
0x8c: {  	s14 =	sshll.u32 s0, $0xA;
	s2 =	sadd.s32 s3, s2  }
0x8d: {  	s2 =	sadd.s32 s2, s14  }
0x8e: {  	[smem:$0x3FC4] =	sst s2  }
0x8f: {  	_ = 	snop  }
0x90: {  	s2 =	sld [smem:$0x3FD0];
	_ =	sdelay $0x2  }
0x91: {  	s4 =	simm.s32 $0xA;
	s5 =	simm.s32 $0x10;
	s15 =	sld [smem:$0x3FC7]  }
0x92: {  	[smem:s5], [sflag:s4] =	dma.local [hbm:s2], $0x1  }
0x93: {  	_ =	swait.eq [sflag:s4], $0x1  }
0x94: {  	[sflag:s4] =	ssyncset.done $0x0  }
0x95: {  	s16 =	sld [smem:$0x10];
	[sflag:s4] =	ssyncadd.s32 $0xFFFFFFFF  }
0x96: {  	s17 =	sld [smem:$0x11];
	(tm) =	ssettm $0x1  }
0x97: {  	s18 =	sld [smem:$0x3FFB];
	_ =	sdelay $0x3  }
0x98: {  	_ =	strace s18  }
0x99: {  	s5 =	sld [smem:$0x3FFC];
	_ =	sdelay $0x3  }
0x9a: {  	_ =	strace s5  }
0x9b: {  	s5 =	sld [smem:$0x3FFD];
	_ =	sdelay $0x3  }
0x9c: {  	_ =	strace s5  }
0x9d: {  	_ =	strace $0x8FFFFFFF  }
0x9e: {  	s19 =	sld [smem:$0x3FDB];
	_ =	sdelay $0x1  }
0x9f: {  	s6 =	simm.s32 $_scs_section_size  }
0xa0: {  	s7 =	simm.s32 $_size__tile_overlayer_lowered;
	s8 =	simm.s32 $_tile_overlayer_lowered  }
0xa1: {  	s22 =	simm.s32 $0x1BFF;
	s21 =	sshll.u32 s8, $0x1;
	s5 =	sadd.s32 s6, s19  }
0xa2: {  	s9 =	simm.s32 $0x0;
	s20 =	sshll.u32 s7, $0x1;
	s7 =	sadd.s32 s21, s5  }
0xa3: {  	[timem:s9], [sflag:s22] =	dma.local [hbm:s7], s20  }
0xa4: {  	_ =	swait.ge [sflag:s22], s20  }
0xa5: {  	s6 =	ssub.s32 $0x0, s20;
	[sflag:s22] =	ssyncset.done $0x0  }
0xa6: {  	[sflag:s22] =	ssyncadd.s32 s6;
	_ =	sdelay $0x1  }
0xa7: {  	s23 =	simm.s32 $0x1B8B  }
0xa8: {  	_ =	swait.ge [sflag:s23], $0x1  }
0xa9: {  	[sflag:s23] =	ssyncset.done $0x0  }
0xaa: {  	s25 =	simm.s32 $0x1B8E;
	s24 =	sld [smem:$0x3FFE];
	[sflag:s23] =	ssyncadd.s32 $0xFFFFFFFF  }
0xab: {  	s26 =	simm.s32 $execute0_lowered;
	[smem:$0x3FD2] =	sst s25  }
0xac: {  	s7 =	sshll.u32 s26, $0x1;
	_ =	strace $0x80000046;
	[dreg:$0x1] =	wrdreg $0xFFFFFFFF  }
0xad: {  	s28 =	simm.s32 $_size_execute0_lowered;
	s5 =	sadd.s32 s5, s7;
	[dreg:$0x0] =	wrdreg $0x0  }
0xae: {  	s7 =	sshll.u32 s28, $0x1;
	[dreg:$0x2] =	wrdreg s5  }
0xaf: {  	[dreg:$0x3] =	wrdreg s7  }
0xb0: {  	[dreg:$0x4] =	wrdreg $0xC0  }
0xb1: {  	_ =	task [dreg:s9], $0x5FFFF  }
0xb2: {  	[dreg:$0x1] =	wrdreg $0xFFFFFFFF  }
0xb3: {  	[dreg:$0x0] =	wrdreg $0x60  }
0xb4: {  	[dreg:$0x2] =	wrdreg s24  }
0xb5: {  	[dreg:$0x3] =	wrdreg s15  }
0xb6: {  	[dreg:$0x4] =	wrdreg s16  }
0xb7: {  	[dreg:$0x5] =	wrdreg s17  }
0xb8: {  	[dreg:$0x6] =	wrdreg $0x9  }
0xb9: {  	_ =	task.clear_ibuf [dreg:s9], $0x7FFFF;
	_ =	strace $0x90000046  }
0xba: {  	s29 =	simm.s32 $0x9;
	_ =	strace $0x80000048  }
0xbb: {  	_ =	swait.ge [sflag:s29], $0x1  }
0xbc: {  	[sflag:s29] =	ssyncadd.s32 $0xFFFFFFFF  }
0xbd: {  	_ =	strace $0x90000048  }
0xbe: {  	_ =	sfence  }
0xbf: {  	s30 =	sld [smem:$0x0];
	_ =	sdelay $0x2  }
0xc0: {  	s31 =	sshll.u32 s1, $0xD;
	s1 =	sshrl.u32 s1, $0x2  }
0xc1: {  	s3 =	sand.u32 $0x4000, s31;
	s1 =	sadd.s32 s1, s30  }
0xc2: {  	s0 =	sor.u32 s3, s0;
	s1 =	sshll.u32 s1, $0x11  }
0xc3: {  	s0 =	sor.u32 s1, s0  }
0xc4: {  	s0 =	sadd.s32 $0x8F2B, s0  }
0xc5: {  	[sflag:s0] =	ssyncadd.remote.s32 $0x1  }
0xc6: {  	_ =	sfence.sel $0xFFFF  }
0xc7: {  	[dreg:$0x0] =	wrdreg $0xFFFFFFFF;
	(pc) =	sbr.abs _section_cstart, $3  }
0xc8: {  	[dreg:$0x1] =	wrdreg $0xFFFFFFFF  }
0xc9: {  	_ =	task.clear_ibuf [dreg:s9], $0x2FFFF;
	_ =	strace $0x9FFFFFFF  }
0xca: {  	(tm) =	ssettm $0x7FFFFFFF  }
0xcb: {  	_ =	shalt  }
tec
execute0_lowered:
.L_overlay_start_1:
0x0: {  	(tag) =	ssettag $0x1  }
0x1: {  	s2 =	stileid.u32  }
0x2: {  	s5 =	rddreg [dreg:$0x0];
	p0 =	sgt.u32 s2, $0x7  }
.Ltmp0:
0x3: {  	s1 =	rddreg [dreg:$0x1];
	(pc) =	sbr.rel @p0 .LBB2_11-.Ltmp0, $4  }
0x4: {  	s7 =	rddreg [dreg:$0x2]  }
0x5: {  	s6 =	rddreg [dreg:$0x3];
	s3 =	simm.s32 $0x0  }
0x6: {  	[smem:$0x7FF] =	sst s3  }
0x7: {  	s0 =	rddreg [dreg:$0x4];
	_ =	strace $0x80000047  }
0x8: {  	v0 =	vimm.s32 $0xEFCDAB89;
	v1 =	vimm.s32 $0x67452301  }
0x9: {  	v2 =	vimm.s32 $0xDCFE98BA;
	v3 =	vimm.s32 $0x54761032;
	v4 =	vimm.s32 $0xBA98FEDC  }
0xa: {  	s4 =	srdreg.scid;
	v5 =	vimm.s32 $0x32107654;
	v6 =	vimm.s32 $0xFEDCBA98;
	v7 =	vimm.s32 $0x76543210  }
0xb: {  	s29 =	sshll.u32 s2, $0x1;
	s13 =	simm.s32 $0x200;
	s14 =	simm.s32 $0x400;
	v0 =	vunpack.c.l.s4.s8 v0;
	v1 =	vunpack.c.l.s4.s8 v1;
	v2 =	vunpack.c.l.s4.s8 v2  }
0xc: {  	s15 =	simm.s32 $0x80;
	s16 =	simm.s32 $0x1400;
	s8 =	sand.u32 $0x1, s4;
	v3 =	vunpack.c.l.s4.s8 v3;
	v4 =	vunpack.c.l.s4.s8 v4;
	v5 =	vunpack.c.l.s4.s8 v5  }
0xd: {  	s17 =	simm.s32 $0x1800;
	s18 =	simm.s32 $0x1900;
	v6 =	vunpack.c.l.s4.s8 v6;
	v7 =	vunpack.c.l.s4.s8 v7;
	s9 =	sor.u32 s8, s29;
	v0 =	vunpack.c.0.s8.s32 v0  }
0xe: {  	s19 =	simm.s32 $0x0;
	s8 =	ssub.s32 $0x2, s8;
	v1 =	vunpack.c.0.s8.s32 v1;
	s4 =	sshll.u32 s9, $0xE;
	v2 =	vunpack.c.0.s8.s32 v2;
	v3 =	vunpack.c.0.s8.s32 v3  }
0xf: {  	s11 =	sshll.u32 s9, $0x4;
	s9 =	sshll.u32 s9, $0xC;
	s30 =	sshrl.u32 s8, $0x1;
	v4 =	vunpack.c.0.s8.s32 v4;
	v5 =	vunpack.c.0.s8.s32 v5;
	v6 =	vunpack.c.0.s8.s32 v6  }
0x10: {  	v7 =	vunpack.c.0.s8.s32 v7;
	s10 =	sadd.s32 s4, s5;
	s4 =	sadd.s32 $0x40600, s5;
	s12 =	sadd.s32 s11, s5;
	v0 =	vcombine.low v1, v0;
	v1 =	vcombine.low v3, v2  }
0x11: {  	s6 =	sadd.s32 s6, s9;
	s7 =	sadd.s32 s7, s11;
	s31 =	ssub.s32 s8, s30;
	v2 =	vcombine.low v5, v4;
	v4 =	vand.u32 $0xF, v6;
	v3 =	vlaneseq.u32  }
0x12: {  	vm0 =	vmmov $0x1;
	s11 =	simm.s32 $0x1;
	s5 =	sadd.s32 $0x600, s10;
	s8 =	sadd.s32 $0x40800, s12;
	v4 =	vcombine.low v4, v7;
	v5 =	vor.u32 $0x10, v3  }
0x13: {  	s9 =	smax.u32 s31, $0x1;
	s10 =	simm.s32 $0x1000;
	s12 =	simm.s32 $0x1880;
	v6 =	vand.u32 $0xF, v0;
	v7 =	vand.u32 $0xF, v1;
	v8 =	vand.u32 $0xF, v2  }
.LBB2_2:
0x14: {  	s20 =	simm.s32 $0x0  }
0x15: {  	[tilespmem:s10], [sflag:$0x1] =	stream.linear.gather [hbm4b:s1+s20], $0x400, $0x38;
	[tilespmem:$0x1980] =	vst v63  }
0x16: {  	_ =	swait.ge [sflag:s11], $0x400  }
0x17: {  	[sflag:s11] =	ssyncset.done $0x0  }
0x18: {  	[sflag:s11] =	ssyncadd.s32 $0xFFFFFC00  }
0x19: {  	[tilespmem:s12], [sflag:$0x1] =	stream.linear.gather [hbm4b:s4+s20], $0x80, $0x38;
	[tilespmem:$0x1980] =	vst v63  }
0x1a: {  	_ =	swait.ge [sflag:s11], $0x80  }
0x1b: {  	[sflag:s11] =	ssyncset.done $0x0  }
0x1c: {  	[sflag:s11] =	ssyncadd.s32 $0xFFFFFF80  }
0x1d: {  	v9 =	vld [tilespmem:$0x1880];
	_ =	sdelay $0x4  }
0x1e: {  	v10 =	vimm.f32 $0.0e+00;
	s21 =	simm.s32 $0x0;
	v9 =	vnsel vm0, $0x0, v9  }
.LBB2_3:
0x1f: {  	s22 =	sshll.u32 s21, $0x9  }
0x20: {  	s23 =	sshll.u32 s21, $0x6;
	s22 =	sand.u32 $0x1C00, s22  }
0x21: {  	s23 =	sand.u32 $0x40, s23;
	s22 =	sadd.s32 s22, s5  }
0x22: {  	s22 =	sadd.s32 s23, s22  }
0x23: {  	[tilespmem:s20], [sflag:$0x1] =	stream.strided.gather [hbm4b:s22+s13], $0x1000, s14, s13, $0x38;
	[tilespmem:$0x1980] =	vst v63  }
0x24: {  	_ =	swait.ge [sflag:s11], $0x1000  }
0x25: {  	s29 =	sand.u32 $0x70, s20;
	s30 =	sand.u32 $0xE00, s20;
	[sflag:s11] =	ssyncset.done $0x0  }
0x26: {  	s22 =	sor.u32 s29, s30;
	[sflag:s11] =	ssyncadd.s32 $0xFFFFF000  }
0x27: {  	v11 =	vld [tilespmem:s22+$0x80]  }
0x28: {  	v12 =	vld [tilespmem:s22+$0x0]  }
0x29: {  	v13 =	vld [tilespmem:s22+$0x100]  }
0x2a: {  	v14 =	vld [tilespmem:s22+$0x180];
	_ =	sdelay $0x4  }
0x2b: {  	v11 =	vmax.f32 v12, v11;
	v12 =	vmax.f32 v13, v14  }
0x2c: {  	s31 =	simm.s32 $0x10;
	s22 =	simm.s32 $0x40;
	v11 =	vmax.f32 v11, v12  }
0x2d: {  	s24 =	simm.s32 $0x0;
	s23 =	sand.u32 $0x70, s31;
	s25 =	sand.u32 $0xE00, s22;
	v12 =	vmul.f32 $6.553700000e+04, v11  }
0x2e: {  	s23 =	sor.u32 s23, s25;
	v13 =	vld [tilespmem:s24+$0x1000];
	[tilespmem:s24+$0x1400] =	vst v11  }
0x2f: {  	v15 =	vld [tilespmem:s23+$0x80];
	v11 =	vsub.f32 v12, v11  }
0x30: {  	v16 =	vld [tilespmem:s23+$0x0]  }
0x31: {  	v17 =	vld [tilespmem:s23+$0x100]  }
0x32: {  	v18 =	vld [tilespmem:s23+$0x180]  }
0x33: {  	s25 =	simm.s32 $0x20;
	s24 =	simm.s32 $0x40;
	s23 =	simm.s32 $0x30;
	v14 =	vmul.f32 $6.553700000e+04, v13;
	v12 =	vsub.f32 v12, v11;
	v11 =	vmov v9  }
.LBB2_4:
0x34: {  	p0 =	sne.s32 s23, $0x3F0  }
0x35: {  	v13 =	vsub.f32 v14, v13;
	_ =	sdelay $0x1  }
0x36: {  	s22 =	sadd.s32 $0x40, s22;
	v15 =	vmax.f32 v16, v15;
	v16 =	vmax.f32 v17, v18;
	v14 =	vsub.f32 v14, v13  }
0x37: {  	s25 =	sand.u32 $0x70, s25;
	s24 =	sshra.s32 s24, $0x2;
	s26 =	sand.u32 $0xE00, s22;
	v17 =	vmax.f32 v15, v16  }
0x38: {  	s26 =	sor.u32 s25, s26;
	s25 =	smov.u32 s23;
	[tilespmem:s24+$0x1400] =	vst v17;
	v13 =	vld [tilespmem:s24+$0x1000];
	v19 =	vmul.f32 $6.553700000e+04, v17;
	v12 =	vmul.f32 v14, v12;
	s24 =	smov.u32 s22  }
.Ltmp1:
0x39: {  	v15 =	vld [tilespmem:s26+$0x80];
	(pc) =	sbr.rel @p0 .LBB2_4-.Ltmp1, $4  }
0x3a: {  	v16 =	vld [tilespmem:s26+$0x0];
	v14 =	vsub.f32 v19, v17;
	v11 =	vadd.f32 v12, v11  }
0x3b: {  	v17 =	vld [tilespmem:s26+$0x100]  }
0x3c: {  	v18 =	vld [tilespmem:s26+$0x180];
	v12 =	vsub.f32 v19, v14  }
0x3d: {  	s23 =	sadd.s32 $0x10, s23;
	v14 =	vmul.f32 $6.553700000e+04, v13  }
0x3e: {  	_ =	sdelay $0x2  }
0x3f: {  	s22 =	sadd.s32 $0x40, s22;
	v15 =	vmax.f32 v16, v15;
	v48 =	vmax.f32 v17, v18  }
0x40: {  	s23 =	sand.u32 $0x70, s25;
	s24 =	sshra.s32 s24, $0x2;
	s28 =	sand.u32 $0xE00, s22;
	v15 =	vmax.f32 v15, v48  }
0x41: {  	v49 =	vld [tilespmem:s24+$0x1000];
	s23 =	sor.u32 s23, s28;
	[tilespmem:s24+$0x1400] =	vst v15  }
0x42: {  	v50 =	vld [tilespmem:s23+$0x80]  }
0x43: {  	v51 =	vld [tilespmem:s23+$0x0]  }
0x44: {  	v19 =	vld [tilespmem:s23+$0x100]  }
0x45: {  	v20 =	vld [tilespmem:s23+$0x180]  }
0x46: {  	s22 =	sshra.s32 s22, $0x2  }
0x47: {  	v21 =	vld [tilespmem:s22+$0x1000]  }
0x48: {  	v13 =	vsub.f32 v14, v13  }
0x49: {  	v22 =	vmul.f32 $6.553700000e+04, v15;
	v23 =	vmul.f32 $6.553700000e+04, v49  }
0x4a: {  	v13 =	vsub.f32 v14, v13;
	v52 =	vmax.f32 v51, v50;
	v53 =	vmax.f32 v19, v20  }
0x4b: {  	v15 =	vsub.f32 v22, v15;
	v16 =	vsub.f32 v23, v49;
	v14 =	vmax.f32 v52, v53  }
0x4c: {  	v54 =	vmul.f32 $6.553700000e+04, v21;
	v17 =	vmul.f32 $6.553700000e+04, v14  }
0x4d: {  	v12 =	vmul.f32 v13, v12;
	v55 =	vsub.f32 v22, v15;
	v56 =	vsub.f32 v23, v16  }
0x4e: {  	v58 =	vsub.f32 v54, v21;
	v57 =	vsub.f32 v17, v14  }
0x4f: {  	v11 =	vadd.f32 v12, v11  }
0x50: {  	v59 =	vmul.f32 v56, v55;
	v61 =	vsub.f32 v54, v58;
	v60 =	vsub.f32 v17, v57;
	_ =	sdelay $0x1  }
0x51: {  	v11 =	vadd.f32 v59, v11;
	v62 =	vmul.f32 v61, v60;
	_ =	sdelay $0x1  }
0x52: {  	v11 =	vadd.f32 v62, v11;
	_ =	sdelay $0x1  }
0x53: {  	v12 =	vperm.xlane v11, v0;
	_ =	sdelay $0x1  }
0x54: {  	v11 =	vadd.f32 v12, v11;
	_ =	sdelay $0x1  }
0x55: {  	v12 =	vperm.xlane v11, v1;
	_ =	sdelay $0x1  }
0x56: {  	v11 =	vadd.f32 v12, v11;
	_ =	sdelay $0x1  }
0x57: {  	v12 =	vperm.xlane v11, v2  }
0x58: {  	s29 =	sshll.u32 s21, $0x7  }
0x59: {  	s30 =	sshll.u32 s21, $0x4;
	v63 =	vmov s21;
	s21 =	sadd.s32 $0x1, s21;
	s23 =	sand.u32 $0x400, s29;
	v11 =	vadd.f32 v12, v11  }
0x5a: {  	p0 =	sne.s32 s21, $0x10;
	s24 =	sand.u32 $0x70, s30;
	s23 =	sadd.s32 s23, s6  }
.Ltmp2:
0x5b: {  	s31 =	sadd.s32 s24, s23;
	[tilespmem:s22+$0x1400] =	vst v14;
	v12 =	vperm.xlane v11, v4;
	(pc) =	sbr.rel @p0 .LBB2_3-.Ltmp2, $4  }
0x5c: {  	[hbm4b:s31+s15] =	stream.strided.scatter [tilespmem:s16], [sflag:$0x1], $0x400, s14, s15, $0x38;
	[tilespmem:$0x1980] =	vst v63  }
0x5d: {  	_ =	swait.ge [sflag:s11], $0x400;
	v11 =	vadd.f32 v12, v11  }
0x5e: {  	vm1 =	veq.s32 v63, v3;
	[sflag:s11] =	ssyncset.done $0x0  }
0x5f: {  	[sflag:s11] =	ssyncadd.s32 $0xFFFFFC00;
	v10 =	vsel vm1, v11, v10  }
0x60: {  	[tilespmem:$0x1800] =	vst v10;
	s20 =	simm.s32 $0x0;
	v10 =	vimm.f32 $0.0e+00;
	s21 =	simm.s32 $0x0  }
.LBB2_7:
0x61: {  	s22 =	sor.u32 $0x10, s21;
	s23 =	sshll.u32 s21, $0x6  }
0x62: {  	s24 =	sshll.u32 s22, $0x9;
	s23 =	sand.u32 $0x40, s23  }
0x63: {  	s24 =	sand.u32 $0x3C00, s24;
	s23 =	sadd.s32 s23, s5  }
0x64: {  	s23 =	sadd.s32 s24, s23  }
0x65: {  	[tilespmem:s20], [sflag:$0x1] =	stream.strided.gather [hbm4b:s23+s13], $0x1000, s14, s13, $0x38;
	[tilespmem:$0x1980] =	vst v63  }
0x66: {  	_ =	swait.ge [sflag:s11], $0x1000  }
0x67: {  	s29 =	sand.u32 $0x70, s20;
	s30 =	sand.u32 $0xE00, s20;
	[sflag:s11] =	ssyncset.done $0x0  }
0x68: {  	s23 =	sor.u32 s29, s30;
	[sflag:s11] =	ssyncadd.s32 $0xFFFFF000  }
0x69: {  	v11 =	vld [tilespmem:s23+$0x80]  }
0x6a: {  	v12 =	vld [tilespmem:s23+$0x0]  }
0x6b: {  	v13 =	vld [tilespmem:s23+$0x100]  }
0x6c: {  	v14 =	vld [tilespmem:s23+$0x180];
	_ =	sdelay $0x4  }
0x6d: {  	v11 =	vmax.f32 v12, v11;
	v12 =	vmax.f32 v13, v14  }
0x6e: {  	s31 =	simm.s32 $0x10;
	s23 =	simm.s32 $0x40;
	v11 =	vmax.f32 v11, v12  }
0x6f: {  	s25 =	simm.s32 $0x0;
	s24 =	sand.u32 $0x70, s31;
	s26 =	sand.u32 $0xE00, s23;
	v12 =	vmul.f32 $6.553700000e+04, v11  }
0x70: {  	s24 =	sor.u32 s24, s26;
	v13 =	vld [tilespmem:s25+$0x1000];
	[tilespmem:s25+$0x1400] =	vst v11  }
0x71: {  	v15 =	vld [tilespmem:s24+$0x80];
	v11 =	vsub.f32 v12, v11  }
0x72: {  	v16 =	vld [tilespmem:s24+$0x0]  }
0x73: {  	v17 =	vld [tilespmem:s24+$0x100]  }
0x74: {  	v18 =	vld [tilespmem:s24+$0x180]  }
0x75: {  	s26 =	simm.s32 $0x20;
	s25 =	simm.s32 $0x40;
	s24 =	simm.s32 $0x30;
	v14 =	vmul.f32 $6.553700000e+04, v13;
	v12 =	vsub.f32 v12, v11;
	v11 =	vmov v9  }
.LBB2_8:
0x76: {  	p0 =	sne.s32 s24, $0x3F0  }
0x77: {  	v13 =	vsub.f32 v14, v13;
	_ =	sdelay $0x1  }
0x78: {  	s23 =	sadd.s32 $0x40, s23;
	v15 =	vmax.f32 v16, v15;
	v16 =	vmax.f32 v17, v18;
	v14 =	vsub.f32 v14, v13  }
0x79: {  	s26 =	sand.u32 $0x70, s26;
	s25 =	sshra.s32 s25, $0x2;
	s28 =	sand.u32 $0xE00, s23;
	v17 =	vmax.f32 v15, v16  }
0x7a: {  	s28 =	sor.u32 s26, s28;
	s26 =	smov.u32 s24;
	[tilespmem:s25+$0x1400] =	vst v17;
	v13 =	vld [tilespmem:s25+$0x1000];
	v19 =	vmul.f32 $6.553700000e+04, v17;
	v12 =	vmul.f32 v14, v12;
	s25 =	smov.u32 s23  }
.Ltmp3:
0x7b: {  	v15 =	vld [tilespmem:s28+$0x80];
	(pc) =	sbr.rel @p0 .LBB2_8-.Ltmp3, $4  }
0x7c: {  	v16 =	vld [tilespmem:s28+$0x0];
	v14 =	vsub.f32 v19, v17;
	v11 =	vadd.f32 v12, v11  }
0x7d: {  	v17 =	vld [tilespmem:s28+$0x100]  }
0x7e: {  	v18 =	vld [tilespmem:s28+$0x180];
	v12 =	vsub.f32 v19, v14  }
0x7f: {  	s24 =	sadd.s32 $0x10, s24;
	v14 =	vmul.f32 $6.553700000e+04, v13  }
0x80: {  	_ =	sdelay $0x2  }
0x81: {  	s23 =	sadd.s32 $0x40, s23;
	v15 =	vmax.f32 v16, v15;
	v48 =	vmax.f32 v17, v18  }
0x82: {  	s24 =	sand.u32 $0x70, s26;
	s25 =	sshra.s32 s25, $0x2;
	s30 =	sand.u32 $0xE00, s23;
	v15 =	vmax.f32 v15, v48  }
0x83: {  	v49 =	vld [tilespmem:s25+$0x1000];
	s24 =	sor.u32 s24, s30;
	[tilespmem:s25+$0x1400] =	vst v15  }
0x84: {  	v50 =	vld [tilespmem:s24+$0x80]  }
0x85: {  	v51 =	vld [tilespmem:s24+$0x0]  }
0x86: {  	v19 =	vld [tilespmem:s24+$0x100]  }
0x87: {  	v20 =	vld [tilespmem:s24+$0x180]  }
0x88: {  	s23 =	sshra.s32 s23, $0x2  }
0x89: {  	v21 =	vld [tilespmem:s23+$0x1000]  }
0x8a: {  	v13 =	vsub.f32 v14, v13  }
0x8b: {  	v22 =	vmul.f32 $6.553700000e+04, v15;
	v23 =	vmul.f32 $6.553700000e+04, v49  }
0x8c: {  	v13 =	vsub.f32 v14, v13;
	v52 =	vmax.f32 v51, v50;
	v53 =	vmax.f32 v19, v20  }
0x8d: {  	v15 =	vsub.f32 v22, v15;
	v16 =	vsub.f32 v23, v49;
	v14 =	vmax.f32 v52, v53  }
0x8e: {  	v54 =	vmul.f32 $6.553700000e+04, v21;
	v17 =	vmul.f32 $6.553700000e+04, v14  }
0x8f: {  	v12 =	vmul.f32 v13, v12;
	v55 =	vsub.f32 v22, v15;
	v56 =	vsub.f32 v23, v16  }
0x90: {  	v58 =	vsub.f32 v54, v21;
	v57 =	vsub.f32 v17, v14  }
0x91: {  	v11 =	vadd.f32 v12, v11  }
0x92: {  	v59 =	vmul.f32 v56, v55;
	v61 =	vsub.f32 v54, v58;
	v60 =	vsub.f32 v17, v57;
	_ =	sdelay $0x1  }
0x93: {  	v11 =	vadd.f32 v59, v11;
	v62 =	vmul.f32 v61, v60;
	_ =	sdelay $0x1  }
0x94: {  	v11 =	vadd.f32 v62, v11;
	_ =	sdelay $0x1  }
0x95: {  	v12 =	vperm.xlane v11, v0;
	_ =	sdelay $0x1  }
0x96: {  	v11 =	vadd.f32 v12, v11;
	_ =	sdelay $0x1  }
0x97: {  	v12 =	vperm.xlane v11, v1;
	_ =	sdelay $0x1  }
0x98: {  	v11 =	vadd.f32 v12, v11;
	_ =	sdelay $0x1  }
0x99: {  	v12 =	vperm.xlane v11, v2  }
0x9a: {  	s31 =	sshll.u32 s21, $0x4  }
0x9b: {  	s22 =	sshll.u32 s22, $0x7;
	v63 =	vmov s21;
	s21 =	sadd.s32 $0x1, s21;
	s24 =	sand.u32 $0x70, s31;
	v11 =	vadd.f32 v12, v11  }
0x9c: {  	s22 =	sand.u32 $0xC00, s22;
	p0 =	sne.s32 s21, $0x10;
	s24 =	sadd.s32 s24, s6  }
.Ltmp4:
0x9d: {  	s22 =	sadd.s32 s22, s24;
	[tilespmem:s23+$0x1400] =	vst v14;
	v12 =	vperm.xlane v11, v4;
	(pc) =	sbr.rel @p0 .LBB2_7-.Ltmp4, $4  }
0x9e: {  	[hbm4b:s22+s15] =	stream.strided.scatter [tilespmem:s16], [sflag:$0x1], $0x400, s14, s15, $0x38;
	[tilespmem:$0x1980] =	vst v63  }
0x9f: {  	_ =	swait.ge [sflag:s11], $0x400;
	v11 =	vadd.f32 v12, v11  }
0xa0: {  	vm1 =	veq.s32 v63, v3;
	[sflag:s11] =	ssyncset.done $0x0  }
0xa1: {  	[sflag:s11] =	ssyncadd.s32 $0xFFFFFC00;
	v10 =	vsel vm1, v11, v10  }
0xa2: {  	[tilespmem:$0x1810] =	vst v10  }
0xa3: {  	[hbm4b:s7+s3] =	stream.linear.scatter [tilespmem:s17], [sflag:$0x1], $0x80, $0x38;
	[tilespmem:$0x1980] =	vst v63  }
0xa4: {  	_ =	swait.ge [sflag:s11], $0x80  }
0xa5: {  	[sflag:s11] =	ssyncset.done $0x0  }
0xa6: {  	[sflag:s11] =	ssyncadd.s32 $0xFFFFFF80  }
0xa7: {  	v9 =	vld [tilespmem:$0x1800]  }
0xa8: {  	v10 =	vld [tilespmem:$0x1810];
	_ =	sdelay $0x4  }
0xa9: {  	v11 =	vmax.f32 v9, v10  }
0xaa: {  	v12 =	vperm.xlane v11, v6;
	_ =	sdelay $0x1  }
0xab: {  	v12 =	vmax.f32 v11, v12  }
0xac: {  	v13 =	vperm.xlane v12, v7;
	_ =	sdelay $0x1  }
0xad: {  	v12 =	vmax.f32 v12, v13  }
0xae: {  	v13 =	vperm.xlane v12, v8;
	_ =	sdelay $0x1  }
0xaf: {  	v12 =	vmax.f32 v12, v13  }
0xb0: {  	v13 =	vperm.xlane v12, v4;
	_ =	sdelay $0x1  }
0xb1: {  	vm1 =	vge.f32 v9, v10;
	v9 =	vmax.f32 v12, v13  }
0xb2: {  	v10 =	vsel vm1, v3, v5;
	vm1 =	veq.f32 v11, v9  }
0xb3: {  	v9 =	vnsel vm1, $0x40000000, v10  }
0xb4: {  	v10 =	vperm.xlane v9, v6;
	_ =	sdelay $0x1  }
0xb5: {  	vm1 =	vlt.s32 v9, v10  }
0xb6: {  	v9 =	vsel vm1, v9, v10  }
0xb7: {  	v10 =	vperm.xlane v9, v7;
	_ =	sdelay $0x1  }
0xb8: {  	vm1 =	vlt.s32 v9, v10  }
0xb9: {  	v9 =	vsel vm1, v9, v10  }
0xba: {  	v10 =	vperm.xlane v9, v8;
	_ =	sdelay $0x1  }
0xbb: {  	vm1 =	vlt.s32 v9, v10  }
0xbc: {  	v9 =	vsel vm1, v9, v10  }
0xbd: {  	v10 =	vperm.xlane v9, v4;
	_ =	sdelay $0x1  }
0xbe: {  	s19 =	sadd.s32 $0x1, s19;
	vm1 =	vlt.s32 v9, v10  }
0xbf: {  	p0 =	sne.s32 s19, s9;
	v9 =	vsel vm1, v9, v10  }
.Ltmp5:
0xc0: {  	[tilespmem:$0x1900] =	vst v9;
	(pc) =	sbr.rel @p0 .LBB2_2-.Ltmp5, $4  }
0xc1: {  	[hbm4b:s8+s3] =	stream.linear.scatter [tilespmem:s18], [sflag:$0x1], $0x80, $0x38;
	[tilespmem:$0x1980] =	vst v63  }
0xc2: {  	_ =	swait.ge [sflag:s11], $0x80  }
0xc3: {  	[sflag:s11] =	ssyncset.done $0x0  }
0xc4: {  	[sflag:s11] =	ssyncadd.s32 $0xFFFFFF80  }
.LBB2_11:
0xc5: {  	_ =	sfence.sel $0x180000  }
0xc6: {  	[bflag:$0x0] =	sbarrier.arrive $0xFFFF  }
0xc7: {  	p0 =	sne.s32 s2, $0x0;
	_ =	strace $0x90000047  }
0xc8: {  	s0 =	sadd.s32 @!p0 $0x100000, s0;
	[bflag:$0x2] =	sbarrier.arrive $0xFFFF  }
0xc9: {  	[sflag:s0] =	ssyncadd.tile.s32 @!p0 $0x1;
	_ =	shalt  }
.Lfunc_end2:
_tile_overlayer_lowered:
.L_overlay_start_2:
0xca: {  	(tag) =	ssettag $0x2  }
0xcb: {  	s0 =	rddreg [dreg:$0x0];
	s2 =	stileid.u32  }
0xcc: {  	s1 =	rddreg [dreg:$0x1];
	p0 =	sne.s32 s2, $0x0  }
0xcd: {  	s3 =	rddreg [dreg:$0x2];
	[bflag:$0x3] =	sbarrier.arrive $0xFFFF;
	s2 =	simm.s32 @!p0 $0x1C01  }
0xce: {  	[timem:s3], [sflag:s2] =	dma.local @!p0 [hbm:s0], s1  }
0xcf: {  	s0 =	simm.s32 @!p0 $0x1  }
0xd0: {  	_ =	swait.ge @!p0 [sflag:s0], s1  }
0xd1: {  	s1 =	ssub.s32 @!p0 $0x0, s1;
	[sflag:s0] =	ssyncset.done @!p0 $0x0  }
0xd2: {  	[sflag:s0] =	ssyncadd.s32 @!p0 s1  }
0xd3: {  	[bflag:$0x3] =	sbarrier.arrive $0xFFFF  }
0xd4: {  	_ =	shalt  }

</sc_bundles>
